<compile_context>
chip_gen: v7x
topology: tpu7x:2x2x1
jax: 0.10.2.dev20260603
libtpu: 0.0.44.dev20260713+nightly
codegen_flags: <defaults>
</compile_context>

<pallas_src>
import functools

import jax
import jax.numpy as jnp
from jax import lax
from jax.experimental import pallas as pl
from jax.experimental.pallas import tpu as pltpu
from jax.experimental.pallas import tpu_sc as plsc

N = 10000
D = 128
NC = 2
NS = 16
NW = NC * NS
CHUNK = 128
LANES = 16

N_PAD = 10112
ROWS_PER_TILE = N_PAD // NS


def _mesh():
    return plsc.VectorSubcoreMesh(
        core_axis_name="c", subcore_axis_name="s", num_cores=NC, num_subcores=NS
    )


def _degree_body(dg_ch, edges_hbm, ones_hbm, zeros_hbm, hist_hbm,
                 idx_v, ones_v, acc_sh):
    c = lax.axis_index("c")
    s = lax.axis_index("s")
    row0 = s * ROWS_PER_TILE
    pltpu.sync_copy(
        zeros_hbm.at[pl.ds(row0, ROWS_PER_TILE)],
        acc_sh.at[pl.ds(row0, ROWS_PER_TILE)],
    )
    pltpu.sync_copy(ones_hbm, ones_v)
    pltpu.sync_copy(edges_hbm.at[c, s], idx_v)
    plsc.subcore_barrier()

    def chunk(j, carry):
        pltpu.sync_copy(ones_v, acc_sh.at[idx_v.at[j]], add=True)
        return carry

    lax.fori_loop(0, dg_ch, chunk, 0)
    plsc.subcore_barrier()
    pltpu.sync_copy(
        acc_sh.at[pl.ds(row0, ROWS_PER_TILE)],
        hist_hbm.at[c, pl.ds(row0, ROWS_PER_TILE)],
    )


def _degree_call(edges_dg, dg_ch):
    ones = jnp.ones((CHUNK, LANES), jnp.float32)
    zeros16 = jnp.zeros((N_PAD, LANES), jnp.float32)
    kern = pl.kernel(
        functools.partial(_degree_body, dg_ch),
        out_type=jax.ShapeDtypeStruct((NC, N_PAD, LANES), jnp.float32),
        mesh=_mesh(),
        scratch_types=[
            pltpu.VMEM((dg_ch, CHUNK), jnp.int32),
            pltpu.VMEM((CHUNK, LANES), jnp.float32),
            pltpu.VMEM_SHARED((N_PAD, LANES), jnp.float32),
        ],
        compiler_params=pltpu.CompilerParams(use_tc_tiling_on_sc=False),
    )
    return kern(edges_dg, ones, zeros16)


C0_FRAC = 57
C1_FRAC = 101


def _spmm_body(c0_ch, c1_ch, xs_hbm, edges0_hbm, edges1_hbm, zeros_hbm,
               out_hbm, src_v, dst_v, rows_v, acc_sh, sem):
    c = lax.axis_index("c")
    s = lax.axis_index("s")
    row0 = s * ROWS_PER_TILE

    @pl.when(c == 0)
    def _():
        pltpu.sync_copy(
            xs_hbm.at[pl.ds(row0, ROWS_PER_TILE)],
            acc_sh.at[pl.ds(row0, ROWS_PER_TILE)],
        )
        pltpu.sync_copy(edges0_hbm.at[0, s], src_v.at[pl.ds(0, c0_ch)])
        pltpu.sync_copy(edges0_hbm.at[1, s], dst_v.at[pl.ds(0, c0_ch)])

    @pl.when(c != 0)
    def _():
        pltpu.sync_copy(
            zeros_hbm.at[pl.ds(row0, ROWS_PER_TILE)],
            acc_sh.at[pl.ds(row0, ROWS_PER_TILE)],
        )
        pltpu.sync_copy(edges1_hbm.at[0, s], src_v.at[pl.ds(0, c1_ch)])
        pltpu.sync_copy(edges1_hbm.at[1, s], dst_v.at[pl.ds(0, c1_ch)])

    plsc.subcore_barrier()
    nch = jnp.where(c == 0, c0_ch, c1_ch)

    def chunk(j, carry):
        pltpu.async_copy(xs_hbm.at[src_v.at[j]], rows_v, sem).wait()
        pltpu.sync_copy(rows_v, acc_sh.at[dst_v.at[j]], add=True)
        return carry

    lax.fori_loop(0, nch, chunk, 0)
    plsc.subcore_barrier()
    pltpu.sync_copy(
        acc_sh.at[pl.ds(row0, ROWS_PER_TILE)],
        out_hbm.at[c, pl.ds(row0, ROWS_PER_TILE)],
    )


def _spmm_call(xs, edges0, edges1, zeros_init, c0_ch, c1_ch):
    kern = pl.kernel(
        functools.partial(_spmm_body, c0_ch, c1_ch),
        out_type=jax.ShapeDtypeStruct((NC, N_PAD, D), jnp.float32),
        mesh=_mesh(),
        scratch_types=[
            pltpu.VMEM((max(c0_ch, c1_ch), CHUNK), jnp.int32),
            pltpu.VMEM((max(c0_ch, c1_ch), CHUNK), jnp.int32),
            pltpu.VMEM((CHUNK, D), jnp.float32),
            pltpu.VMEM_SHARED((N_PAD, D), jnp.float32),
            pltpu.SemaphoreType.DMA,
        ],
    )
    return kern(xs, edges0, edges1, zeros_init)


def _scale_body(x_ref, hist_ref, xs_ref):
    h = hist_ref[...]
    norm_src = lax.rsqrt(h[0, :, 0:1] + 1.0)
    xs_ref[...] = x_ref[...] * norm_src


def _layer1_body(acc_ref, hist_ref, w_ref, b_ref, out_ref):
    h = hist_ref[...]
    norm_dst = lax.rsqrt(h[1, :, 0:1] + 1.0)
    norm_src = lax.rsqrt(h[0, :, 0:1] + 1.0)
    agg = (acc_ref[0] + acc_ref[1]) * norm_dst
    h1 = jnp.dot(agg, w_ref[...], preferred_element_type=jnp.float32) + b_ref[...]
    out_ref[...] = jnp.maximum(h1, 0.0) * norm_src


def _layer2_body(acc_ref, hist_ref, w_ref, b_ref, out_ref):
    h = hist_ref[...]
    norm_dst = lax.rsqrt(h[1, :, 0:1] + 1.0)
    agg = (acc_ref[0] + acc_ref[1]) * norm_dst
    out_ref[...] = (
        jnp.dot(agg, w_ref[...], preferred_element_type=jnp.float32) + b_ref[...]
    )


def _tc_call(body, out_shape, *args):
    return pl.pallas_call(
        body, out_shape=jax.ShapeDtypeStruct(out_shape, jnp.float32)
    )(*args)


def kernel(features, edge_index, W1, b1, W2, b2):
    n, d = features.shape
    e = edge_index.shape[1]
    e_pad = -(-e // (NS * CHUNK)) * (NS * CHUNK)
    dg_ch = e_pad // (NS * CHUNK)
    tot_ch = dg_ch
    c0_ch = max(1, (tot_ch * C0_FRAC) // (C0_FRAC + C1_FRAC))
    c1_ch = tot_ch - c0_ch

    ei = jnp.pad(edge_index, ((0, 0), (0, e_pad - e)), constant_values=N)
    edges_dg = ei.reshape(2, NS, dg_ch, CHUNK)
    n0 = NS * c0_ch * CHUNK
    edges0 = ei[:, :n0].reshape(2, NS, c0_ch, CHUNK)
    edges1 = ei[:, n0:].reshape(2, NS, c1_ch, CHUNK)
    x_pad = jnp.pad(features, ((0, N_PAD - n), (0, 0)))
    zeros_init = jnp.zeros((N_PAD, D), jnp.float32)

    hist = _degree_call(edges_dg, dg_ch)
    xs1 = _tc_call(_scale_body, (N_PAD, D), x_pad, hist)
    acc1 = _spmm_call(xs1, edges0, edges1, zeros_init, c0_ch, c1_ch)
    xs2 = _tc_call(_layer1_body, (N_PAD, D), acc1, hist, W1, b1.reshape(1, D))
    acc2 = _spmm_call(xs2, edges0, edges1, zeros_init, c0_ch, c1_ch)
    out = _tc_call(_layer2_body, (N_PAD, D), acc2, hist, W2, b2.reshape(1, D))
    return out[:n]

# --- scband reference (transcript-rebuilt; emitter-appended) ---
"""Pipeline reference for scband-gcn-47545287967427 (READ-ONLY COPY).

The authoritative reference and input builder live on the scoring server;
editing this copy changes nothing except your own understanding.
"""

import jax, jax.numpy as jnp
import numpy as np

N_NODES = 10000
N_EDGES = 320000
D_IN = 128
D_HID = 128
D_OUT = 128


def setup_inputs(seed: int = 0) -> dict:
    key = jax.random.key(seed)
    k1, k2, k3, k4, k5, k6 = jax.random.split(key, 6)
    features = jax.random.normal(k1, (N_NODES, D_IN), dtype=jnp.float32)
    edge_index = jax.random.randint(k2, (2, N_EDGES), 0, N_NODES, dtype=jnp.int32)
    # Glorot-style init like DGL GraphConv
    W1 = jax.random.normal(k3, (D_IN, D_HID), dtype=jnp.float32) * (1.0 / np.sqrt(D_IN))
    b1 = jnp.zeros((D_HID,), dtype=jnp.float32)
    W2 = jax.random.normal(k4, (D_HID, D_OUT), dtype=jnp.float32) * (1.0 / np.sqrt(D_HID))
    b2 = jnp.zeros((D_OUT,), dtype=jnp.float32)
    return {"features": features, "edge_index": edge_index, "W1": W1, "b1": b1, "W2": W2, "b2": b2}


def reference(features, edge_index, W1, b1, W2, b2):
    n = features.shape[0]
    src = edge_index[0]
    dst = edge_index[1]
    # dgl.add_self_loop
    loop = jnp.arange(n, dtype=src.dtype)
    src = jnp.concatenate([src, loop])
    dst = jnp.concatenate([dst, loop])
    ones = jnp.ones(src.shape[0], dtype=jnp.float32)
    deg_out = jax.ops.segment_sum(ones, src, num_segments=n)
    deg_in = jax.ops.segment_sum(ones, dst, num_segments=n)
    norm_src = jnp.where(deg_out > 0, jax.lax.rsqrt(deg_out), 0.0)
    norm_dst = jnp.where(deg_in > 0, jax.lax.rsqrt(deg_in), 0.0)

    def graph_conv(x, W, b):
        # DGL GraphConv, norm='both': h' = D_in^{-1/2} A^T (D_out^{-1/2} x) W + b
        h = x * norm_src[:, None]
        msgs = jnp.take(h, src, axis=0)
        agg = jax.ops.segment_sum(msgs, dst, num_segments=n)
        agg = agg * norm_dst[:, None]
        return agg @ W + b

    h = jax.nn.relu(graph_conv(features, W1, b1))
    h = graph_conv(h, W2, b2)
    return h

if __name__ == "__main__":
    import jax
    _d = setup_inputs()
    print(jax.jit(kernel)(*tuple(_d.values())))

</pallas_src>

<mosaic_0001>
#map = affine_map<(d0, d1) -> (0, 0, 0, 0)>
#map1 = affine_map<(d0, d1) -> (0, 0)>
#map2 = affine_map<(d0, d1) -> (0, 0, 0)>
module attributes {stable_mosaic.version = 14 : i64} {
  func.func @_degree_body(%arg0: i32, %arg1: i32, %arg2: memref<2x16x157x128xi32, #tpu.memory_space<hbm>>, %arg3: memref<128x16xf32, #tpu.memory_space<hbm>>, %arg4: memref<10112x16xf32, #tpu.memory_space<hbm>>, %arg5: memref<2x10112x16xf32, #tpu.memory_space<hbm>>, %arg6: memref<157x128xi32, #tpu.memory_space<vmem>>, %arg7: memref<128x16xf32, #tpu.memory_space<vmem>>, %arg8: memref<10112x16xf32, #tpu.memory_space<vmem_shared>>) attributes {dimension_semantics = [#tpu.dimension_semantics<core_parallel>, #tpu.dimension_semantics<subcore_parallel>], iteration_bounds = array<i64: 2, 16>, scalar_prefetch = 0 : i64, scratch_operands = 3 : i64, tpu.core_type = #tpu.core_type<sc_vector_subcore>, window_params = [{transform_indices = #map}, {transform_indices = #map1}, {transform_indices = #map1}, {transform_indices = #map2}]} {
    %mul3A = arith.constant 632 : i32
    %mul3A_0 = arith.muli %arg1, %mul3A : i32
    "tpu.region"() ({
      %run_scoped3A = tpu.sem_alloc : memref<!tpu.dma_semaphore, #tpu.memory_space<semaphore_mem>>
      %dma_start3A = arith.constant 0 : i32
      %dma_start3A_7 = tpu.memref_slice %arg8[%mul3A_0, %dma_start3A] : memref<10112x16xf32, #tpu.memory_space<vmem_shared>> -> memref<632x16xf32, #tpu.memory_space<vmem_shared>>
      %dma_start3A_8 = arith.constant 0 : i32
      %dma_start3A_9 = tpu.memref_slice %arg4[%mul3A_0, %dma_start3A_8] : memref<10112x16xf32, #tpu.memory_space<hbm>> -> memref<632x16xf32, #tpu.memory_space<hbm>>
      tpu.enqueue_dma source(%dma_start3A_9 : memref<632x16xf32, #tpu.memory_space<hbm>>) target(%dma_start3A_7 : memref<632x16xf32, #tpu.memory_space<vmem_shared>>) target_semaphore(%run_scoped3A : memref<!tpu.dma_semaphore, #tpu.memory_space<semaphore_mem>>)
      %dma_wait3A = arith.constant 0 : i32
      %dma_wait3A_10 = tpu.memref_slice %arg8[%mul3A_0, %dma_wait3A] : memref<10112x16xf32, #tpu.memory_space<vmem_shared>> -> memref<632x16xf32, #tpu.memory_space<vmem_shared>>
      %dma_wait3A_11 = arith.constant 0 : i32
      %dma_wait3A_12 = tpu.memref_slice %arg4[%mul3A_0, %dma_wait3A_11] : memref<10112x16xf32, #tpu.memory_space<hbm>> -> memref<632x16xf32, #tpu.memory_space<hbm>>
      tpu.wait_dma2 semaphore(%run_scoped3A : memref<!tpu.dma_semaphore, #tpu.memory_space<semaphore_mem>>) src(%dma_wait3A_12 : memref<632x16xf32, #tpu.memory_space<hbm>>) dst(%dma_wait3A_10 : memref<632x16xf32, #tpu.memory_space<vmem_shared>>)
      tpu.yield
    }) : () -> ()
    "tpu.region"() ({
      %run_scoped3A = tpu.sem_alloc : memref<!tpu.dma_semaphore, #tpu.memory_space<semaphore_mem>>
      tpu.enqueue_dma source(%arg3 : memref<128x16xf32, #tpu.memory_space<hbm>>) target(%arg7 : memref<128x16xf32, #tpu.memory_space<vmem>>) target_semaphore(%run_scoped3A : memref<!tpu.dma_semaphore, #tpu.memory_space<semaphore_mem>>)
      tpu.wait_dma2 semaphore(%run_scoped3A : memref<!tpu.dma_semaphore, #tpu.memory_space<semaphore_mem>>) src(%arg3 : memref<128x16xf32, #tpu.memory_space<hbm>>) dst(%arg7 : memref<128x16xf32, #tpu.memory_space<vmem>>)
      tpu.yield
    }) : () -> ()
    "tpu.region"() ({
      %run_scoped3A = tpu.sem_alloc : memref<!tpu.dma_semaphore, #tpu.memory_space<semaphore_mem>>
      %dma_start3A = arith.constant 0 : i32
      %dma_start3A_7 = arith.constant 0 : i32
      %dma_start3A_8 = tpu.memref_slice %arg2[%arg0, %arg1, %dma_start3A, %dma_start3A_7] : memref<2x16x157x128xi32, #tpu.memory_space<hbm>> -> memref<1x1x157x128xi32, #tpu.memory_space<hbm>>
      %dma_start3A_9 = tpu.memref_squeeze %dma_start3A_8 : memref<1x1x157x128xi32, #tpu.memory_space<hbm>> -> memref<157x128xi32, #tpu.memory_space<hbm>>
      %dma_start3A_10 = arith.constant 0 : i32
      %dma_start3A_11 = arith.constant 0 : i32
      %dma_start3A_12 = tpu.memref_slice %arg2[%arg0, %arg1, %dma_start3A_10, %dma_start3A_11] : memref<2x16x157x128xi32, #tpu.memory_space<hbm>> -> memref<1x1x157x128xi32, #tpu.memory_space<hbm>>
      %dma_start3A_13 = tpu.memref_squeeze %dma_start3A_12 : memref<1x1x157x128xi32, #tpu.memory_space<hbm>> -> memref<157x128xi32, #tpu.memory_space<hbm>>
      tpu.enqueue_dma source(%dma_start3A_13 : memref<157x128xi32, #tpu.memory_space<hbm>>) target(%arg6 : memref<157x128xi32, #tpu.memory_space<vmem>>) target_semaphore(%run_scoped3A : memref<!tpu.dma_semaphore, #tpu.memory_space<semaphore_mem>>)
      %dma_wait3A = arith.constant 0 : i32
      %dma_wait3A_14 = arith.constant 0 : i32
      %dma_wait3A_15 = tpu.memref_slice %arg2[%arg0, %arg1, %dma_wait3A, %dma_wait3A_14] : memref<2x16x157x128xi32, #tpu.memory_space<hbm>> -> memref<1x1x157x128xi32, #tpu.memory_space<hbm>>
      %dma_wait3A_16 = tpu.memref_squeeze %dma_wait3A_15 : memref<1x1x157x128xi32, #tpu.memory_space<hbm>> -> memref<157x128xi32, #tpu.memory_space<hbm>>
      %dma_wait3A_17 = arith.constant 0 : i32
      %dma_wait3A_18 = arith.constant 0 : i32
      %dma_wait3A_19 = tpu.memref_slice %arg2[%arg0, %arg1, %dma_wait3A_17, %dma_wait3A_18] : memref<2x16x157x128xi32, #tpu.memory_space<hbm>> -> memref<1x1x157x128xi32, #tpu.memory_space<hbm>>
      %dma_wait3A_20 = tpu.memref_squeeze %dma_wait3A_19 : memref<1x1x157x128xi32, #tpu.memory_space<hbm>> -> memref<157x128xi32, #tpu.memory_space<hbm>>
      tpu.wait_dma2 semaphore(%run_scoped3A : memref<!tpu.dma_semaphore, #tpu.memory_space<semaphore_mem>>) src(%dma_wait3A_20 : memref<157x128xi32, #tpu.memory_space<hbm>>) dst(%arg6 : memref<157x128xi32, #tpu.memory_space<vmem>>)
      tpu.yield
    }) : () -> ()
    %barrier3A = arith.constant 0 : index
    tpu.barrier barrier_id(%barrier3A)
    %scan3A = arith.constant 0 : i32
    %scan3A_1 = arith.constant 0 : i32
    %scan3A_2 = arith.constant 157 : i32
    %scan3A_3 = arith.addi %scan3A_1, %scan3A_2 : i32
    %scan3A_4 = arith.constant 1 : i32
    scf.for %scan3A_7 = %scan3A_1 to %scan3A_3 step %scan3A_4  : i32 {
      "tpu.region"() ({
        %run_scoped3A = tpu.sem_alloc : memref<!tpu.dma_semaphore, #tpu.memory_space<semaphore_mem>>
        %dma_start3A = arith.constant 0 : i32
        %dma_start3A_8 = tpu.memref_slice %arg6[%scan3A_7, %dma_start3A] : memref<157x128xi32, #tpu.memory_space<vmem>> -> memref<1x128xi32, #tpu.memory_space<vmem>>
        %dma_start3A_9 = tpu.memref_squeeze %dma_start3A_8 : memref<1x128xi32, #tpu.memory_space<vmem>> -> memref<128xi32, #tpu.memory_space<vmem>>
        %dma_start3A_10 = arith.constant 0 : i32
        %dma_start3A_11 = arith.constant 0 : i32
        %dma_start3A_12 = tpu.memref_slice %arg8[%dma_start3A_10, %dma_start3A_11] : memref<10112x16xf32, #tpu.memory_space<vmem_shared>> -> memref<10112x16xf32, #tpu.memory_space<vmem_shared>>
        tpu.enqueue_indirect_dma source(%arg7 : memref<128x16xf32, #tpu.memory_space<vmem>>) target(%dma_start3A_12 : memref<10112x16xf32, #tpu.memory_space<vmem_shared>>) offsets(%dma_start3A_9 : memref<128xi32, #tpu.memory_space<vmem>>) semaphore(%run_scoped3A : memref<!tpu.dma_semaphore, #tpu.memory_space<semaphore_mem>>) {add = true}
        %dma_wait3A = arith.constant 0 : i32
        %dma_wait3A_13 = tpu.memref_slice %arg6[%scan3A_7, %dma_wait3A] : memref<157x128xi32, #tpu.memory_space<vmem>> -> memref<1x128xi32, #tpu.memory_space<vmem>>
        %dma_wait3A_14 = tpu.memref_squeeze %dma_wait3A_13 : memref<1x128xi32, #tpu.memory_space<vmem>> -> memref<128xi32, #tpu.memory_space<vmem>>
        %dma_wait3A_15 = arith.constant 0 : i32
        %dma_wait3A_16 = arith.constant 0 : i32
        %dma_wait3A_17 = tpu.memref_slice %arg8[%dma_wait3A_15, %dma_wait3A_16] : memref<10112x16xf32, #tpu.memory_space<vmem_shared>> -> memref<10112x16xf32, #tpu.memory_space<vmem_shared>>
        tpu.wait_indirect_dma semaphore(%run_scoped3A : memref<!tpu.dma_semaphore, #tpu.memory_space<semaphore_mem>>) src(%arg7 : memref<128x16xf32, #tpu.memory_space<vmem>>) dst(%dma_wait3A_17 : memref<10112x16xf32, #tpu.memory_space<vmem_shared>>)
        tpu.yield
      }) : () -> ()
    }
    %scan3A_5 = arith.constant 157 : i32
    %barrier3A_6 = arith.constant 0 : index
    tpu.barrier barrier_id(%barrier3A_6)
    "tpu.region"() ({
      %run_scoped3A = tpu.sem_alloc : memref<!tpu.dma_semaphore, #tpu.memory_space<semaphore_mem>>
      %dma_start3A = arith.constant 0 : i32
      %dma_start3A_7 = tpu.memref_slice %arg5[%arg0, %mul3A_0, %dma_start3A] : memref<2x10112x16xf32, #tpu.memory_space<hbm>> -> memref<1x632x16xf32, #tpu.memory_space<hbm>>
      %dma_start3A_8 = tpu.memref_squeeze %dma_start3A_7 : memref<1x632x16xf32, #tpu.memory_space<hbm>> -> memref<632x16xf32, #tpu.memory_space<hbm>>
      %dma_start3A_9 = arith.constant 0 : i32
      %dma_start3A_10 = tpu.memref_slice %arg8[%mul3A_0, %dma_start3A_9] : memref<10112x16xf32, #tpu.memory_space<vmem_shared>> -> memref<632x16xf32, #tpu.memory_space<vmem_shared>>
      tpu.enqueue_dma source(%dma_start3A_10 : memref<632x16xf32, #tpu.memory_space<vmem_shared>>) target(%dma_start3A_8 : memref<632x16xf32, #tpu.memory_space<hbm>>) target_semaphore(%run_scoped3A : memref<!tpu.dma_semaphore, #tpu.memory_space<semaphore_mem>>)
      %dma_wait3A = arith.constant 0 : i32
      %dma_wait3A_11 = tpu.memref_slice %arg5[%arg0, %mul3A_0, %dma_wait3A] : memref<2x10112x16xf32, #tpu.memory_space<hbm>> -> memref<1x632x16xf32, #tpu.memory_space<hbm>>
      %dma_wait3A_12 = tpu.memref_squeeze %dma_wait3A_11 : memref<1x632x16xf32, #tpu.memory_space<hbm>> -> memref<632x16xf32, #tpu.memory_space<hbm>>
      %dma_wait3A_13 = arith.constant 0 : i32
      %dma_wait3A_14 = tpu.memref_slice %arg8[%mul3A_0, %dma_wait3A_13] : memref<10112x16xf32, #tpu.memory_space<vmem_shared>> -> memref<632x16xf32, #tpu.memory_space<vmem_shared>>
      tpu.wait_dma2 semaphore(%run_scoped3A : memref<!tpu.dma_semaphore, #tpu.memory_space<semaphore_mem>>) src(%dma_wait3A_14 : memref<632x16xf32, #tpu.memory_space<vmem_shared>>) dst(%dma_wait3A_12 : memref<632x16xf32, #tpu.memory_space<hbm>>)
      tpu.yield
    }) : () -> ()
    return
  }
}

#map = affine_map<(d0, d1) -> (0, 0)>
#map1 = affine_map<(d0, d1) -> (0, 0, 0, 0)>
#map2 = affine_map<(d0, d1) -> (0, 0, 0)>
module attributes {stable_mosaic.version = 14 : i64} {
  func.func @_spmm_body(%arg0: i32, %arg1: i32, %arg2: memref<10112x128xf32, #tpu.memory_space<hbm>>, %arg3: memref<2x16x56x128xi32, #tpu.memory_space<hbm>>, %arg4: memref<2x16x101x128xi32, #tpu.memory_space<hbm>>, %arg5: memref<10112x128xf32, #tpu.memory_space<hbm>>, %arg6: memref<2x10112x128xf32, #tpu.memory_space<hbm>>, %arg7: memref<101x128xi32, #tpu.memory_space<vmem>>, %arg8: memref<101x128xi32, #tpu.memory_space<vmem>>, %arg9: memref<128x128xf32, #tpu.memory_space<vmem>>, %arg10: memref<10112x128xf32, #tpu.memory_space<vmem_shared>>, %arg11: memref<!tpu.dma_semaphore, #tpu.memory_space<semaphore_mem>>) attributes {dimension_semantics = [#tpu.dimension_semantics<core_parallel>, #tpu.dimension_semantics<subcore_parallel>], iteration_bounds = array<i64: 2, 16>, scalar_prefetch = 0 : i64, scratch_operands = 5 : i64, tpu.core_type = #tpu.core_type<sc_vector_subcore>, window_params = [{transform_indices = #map}, {transform_indices = #map1}, {transform_indices = #map1}, {transform_indices = #map}, {transform_indices = #map2}]} {
    %mul3A = arith.constant 632 : i32
    %mul3A_0 = arith.muli %arg1, %mul3A : i32
    %eq3A = arith.constant 0 : i32
    %eq3A_1 = arith.cmpi eq, %arg0, %eq3A : i32
    %convert_element_type3A = arith.extui %eq3A_1 : i1 to i32
    %cond3A = arith.constant 0 : i32
    %cond3A_2 = arith.cmpi ne, %convert_element_type3A, %cond3A : i32
    scf.if %cond3A_2 {
      "tpu.region"() ({
        %run_scoped3A_21 = tpu.sem_alloc : memref<!tpu.dma_semaphore, #tpu.memory_space<semaphore_mem>>
        %dma_start3A = arith.constant 0 : i32
        %dma_start3A_22 = tpu.memref_slice %arg10[%mul3A_0, %dma_start3A] : memref<10112x128xf32, #tpu.memory_space<vmem_shared>> -> memref<632x128xf32, #tpu.memory_space<vmem_shared>>
        %dma_start3A_23 = arith.constant 0 : i32
        %dma_start3A_24 = tpu.memref_slice %arg2[%mul3A_0, %dma_start3A_23] : memref<10112x128xf32, #tpu.memory_space<hbm>> -> memref<632x128xf32, #tpu.memory_space<hbm>>
        tpu.enqueue_dma source(%dma_start3A_24 : memref<632x128xf32, #tpu.memory_space<hbm>>) target(%dma_start3A_22 : memref<632x128xf32, #tpu.memory_space<vmem_shared>>) target_semaphore(%run_scoped3A_21 : memref<!tpu.dma_semaphore, #tpu.memory_space<semaphore_mem>>)
        %dma_wait3A = arith.constant 0 : i32
        %dma_wait3A_25 = tpu.memref_slice %arg10[%mul3A_0, %dma_wait3A] : memref<10112x128xf32, #tpu.memory_space<vmem_shared>> -> memref<632x128xf32, #tpu.memory_space<vmem_shared>>
        %dma_wait3A_26 = arith.constant 0 : i32
        %dma_wait3A_27 = tpu.memref_slice %arg2[%mul3A_0, %dma_wait3A_26] : memref<10112x128xf32, #tpu.memory_space<hbm>> -> memref<632x128xf32, #tpu.memory_space<hbm>>
        tpu.wait_dma2 semaphore(%run_scoped3A_21 : memref<!tpu.dma_semaphore, #tpu.memory_space<semaphore_mem>>) src(%dma_wait3A_27 : memref<632x128xf32, #tpu.memory_space<hbm>>) dst(%dma_wait3A_25 : memref<632x128xf32, #tpu.memory_space<vmem_shared>>)
        tpu.yield
      }) : () -> ()
      %run_scoped3A = arith.constant 0 : i32
      "tpu.region"() ({
        %run_scoped3A_21 = tpu.sem_alloc : memref<!tpu.dma_semaphore, #tpu.memory_space<semaphore_mem>>
        %dma_start3A = arith.constant 0 : i32
        %dma_start3A_22 = arith.constant 0 : i32
        %dma_start3A_23 = tpu.memref_slice %arg7[%dma_start3A, %dma_start3A_22] : memref<101x128xi32, #tpu.memory_space<vmem>> -> memref<56x128xi32, #tpu.memory_space<vmem>>
        %dma_start3A_24 = arith.constant 0 : i32
        %dma_start3A_25 = arith.constant 0 : i32
        %dma_start3A_26 = tpu.memref_slice %arg3[%run_scoped3A, %arg1, %dma_start3A_24, %dma_start3A_25] : memref<2x16x56x128xi32, #tpu.memory_space<hbm>> -> memref<1x1x56x128xi32, #tpu.memory_space<hbm>>
        %dma_start3A_27 = tpu.memref_squeeze %dma_start3A_26 : memref<1x1x56x128xi32, #tpu.memory_space<hbm>> -> memref<56x128xi32, #tpu.memory_space<hbm>>
        %dma_start3A_28 = arith.constant 0 : i32
        %dma_start3A_29 = arith.constant 0 : i32
        %dma_start3A_30 = tpu.memref_slice %arg7[%dma_start3A_28, %dma_start3A_29] : memref<101x128xi32, #tpu.memory_space<vmem>> -> memref<56x128xi32, #tpu.memory_space<vmem>>
        %dma_start3A_31 = arith.constant 0 : i32
        %dma_start3A_32 = arith.constant 0 : i32
        %dma_start3A_33 = tpu.memref_slice %arg3[%run_scoped3A, %arg1, %dma_start3A_31, %dma_start3A_32] : memref<2x16x56x128xi32, #tpu.memory_space<hbm>> -> memref<1x1x56x128xi32, #tpu.memory_space<hbm>>
        %dma_start3A_34 = tpu.memref_squeeze %dma_start3A_33 : memref<1x1x56x128xi32, #tpu.memory_space<hbm>> -> memref<56x128xi32, #tpu.memory_space<hbm>>
        tpu.enqueue_dma source(%dma_start3A_34 : memref<56x128xi32, #tpu.memory_space<hbm>>) target(%dma_start3A_30 : memref<56x128xi32, #tpu.memory_space<vmem>>) target_semaphore(%run_scoped3A_21 : memref<!tpu.dma_semaphore, #tpu.memory_space<semaphore_mem>>)
        %dma_wait3A = arith.constant 0 : i32
        %dma_wait3A_35 = arith.constant 0 : i32
        %dma_wait3A_36 = tpu.memref_slice %arg7[%dma_wait3A, %dma_wait3A_35] : memref<101x128xi32, #tpu.memory_space<vmem>> -> memref<56x128xi32, #tpu.memory_space<vmem>>
        %dma_wait3A_37 = arith.constant 0 : i32
        %dma_wait3A_38 = arith.constant 0 : i32
        %dma_wait3A_39 = tpu.memref_slice %arg3[%run_scoped3A, %arg1, %dma_wait3A_37, %dma_wait3A_38] : memref<2x16x56x128xi32, #tpu.memory_space<hbm>> -> memref<1x1x56x128xi32, #tpu.memory_space<hbm>>
        %dma_wait3A_40 = tpu.memref_squeeze %dma_wait3A_39 : memref<1x1x56x128xi32, #tpu.memory_space<hbm>> -> memref<56x128xi32, #tpu.memory_space<hbm>>
        %dma_wait3A_41 = arith.constant 0 : i32
        %dma_wait3A_42 = arith.constant 0 : i32
        %dma_wait3A_43 = tpu.memref_slice %arg7[%dma_wait3A_41, %dma_wait3A_42] : memref<101x128xi32, #tpu.memory_space<vmem>> -> memref<56x128xi32, #tpu.memory_space<vmem>>
        %dma_wait3A_44 = arith.constant 0 : i32
        %dma_wait3A_45 = arith.constant 0 : i32
        %dma_wait3A_46 = tpu.memref_slice %arg3[%run_scoped3A, %arg1, %dma_wait3A_44, %dma_wait3A_45] : memref<2x16x56x128xi32, #tpu.memory_space<hbm>> -> memref<1x1x56x128xi32, #tpu.memory_space<hbm>>
        %dma_wait3A_47 = tpu.memref_squeeze %dma_wait3A_46 : memref<1x1x56x128xi32, #tpu.memory_space<hbm>> -> memref<56x128xi32, #tpu.memory_space<hbm>>
        tpu.wait_dma2 semaphore(%run_scoped3A_21 : memref<!tpu.dma_semaphore, #tpu.memory_space<semaphore_mem>>) src(%dma_wait3A_47 : memref<56x128xi32, #tpu.memory_space<hbm>>) dst(%dma_wait3A_43 : memref<56x128xi32, #tpu.memory_space<vmem>>)
        tpu.yield
      }) : () -> ()
      %run_scoped3A_20 = arith.constant 1 : i32
      "tpu.region"() ({
        %run_scoped3A_21 = tpu.sem_alloc : memref<!tpu.dma_semaphore, #tpu.memory_space<semaphore_mem>>
        %dma_start3A = arith.constant 0 : i32
        %dma_start3A_22 = arith.constant 0 : i32
        %dma_start3A_23 = tpu.memref_slice %arg8[%dma_start3A, %dma_start3A_22] : memref<101x128xi32, #tpu.memory_space<vmem>> -> memref<56x128xi32, #tpu.memory_space<vmem>>
        %dma_start3A_24 = arith.constant 0 : i32
        %dma_start3A_25 = arith.constant 0 : i32
        %dma_start3A_26 = tpu.memref_slice %arg3[%run_scoped3A_20, %arg1, %dma_start3A_24, %dma_start3A_25] : memref<2x16x56x128xi32, #tpu.memory_space<hbm>> -> memref<1x1x56x128xi32, #tpu.memory_space<hbm>>
        %dma_start3A_27 = tpu.memref_squeeze %dma_start3A_26 : memref<1x1x56x128xi32, #tpu.memory_space<hbm>> -> memref<56x128xi32, #tpu.memory_space<hbm>>
        %dma_start3A_28 = arith.constant 0 : i32
        %dma_start3A_29 = arith.constant 0 : i32
        %dma_start3A_30 = tpu.memref_slice %arg8[%dma_start3A_28, %dma_start3A_29] : memref<101x128xi32, #tpu.memory_space<vmem>> -> memref<56x128xi32, #tpu.memory_space<vmem>>
        %dma_start3A_31 = arith.constant 0 : i32
        %dma_start3A_32 = arith.constant 0 : i32
        %dma_start3A_33 = tpu.memref_slice %arg3[%run_scoped3A_20, %arg1, %dma_start3A_31, %dma_start3A_32] : memref<2x16x56x128xi32, #tpu.memory_space<hbm>> -> memref<1x1x56x128xi32, #tpu.memory_space<hbm>>
        %dma_start3A_34 = tpu.memref_squeeze %dma_start3A_33 : memref<1x1x56x128xi32, #tpu.memory_space<hbm>> -> memref<56x128xi32, #tpu.memory_space<hbm>>
        tpu.enqueue_dma source(%dma_start3A_34 : memref<56x128xi32, #tpu.memory_space<hbm>>) target(%dma_start3A_30 : memref<56x128xi32, #tpu.memory_space<vmem>>) target_semaphore(%run_scoped3A_21 : memref<!tpu.dma_semaphore, #tpu.memory_space<semaphore_mem>>)
        %dma_wait3A = arith.constant 0 : i32
        %dma_wait3A_35 = arith.constant 0 : i32
        %dma_wait3A_36 = tpu.memref_slice %arg8[%dma_wait3A, %dma_wait3A_35] : memref<101x128xi32, #tpu.memory_space<vmem>> -> memref<56x128xi32, #tpu.memory_space<vmem>>
        %dma_wait3A_37 = arith.constant 0 : i32
        %dma_wait3A_38 = arith.constant 0 : i32
        %dma_wait3A_39 = tpu.memref_slice %arg3[%run_scoped3A_20, %arg1, %dma_wait3A_37, %dma_wait3A_38] : memref<2x16x56x128xi32, #tpu.memory_space<hbm>> -> memref<1x1x56x128xi32, #tpu.memory_space<hbm>>
        %dma_wait3A_40 = tpu.memref_squeeze %dma_wait3A_39 : memref<1x1x56x128xi32, #tpu.memory_space<hbm>> -> memref<56x128xi32, #tpu.memory_space<hbm>>
        %dma_wait3A_41 = arith.constant 0 : i32
        %dma_wait3A_42 = arith.constant 0 : i32
        %dma_wait3A_43 = tpu.memref_slice %arg8[%dma_wait3A_41, %dma_wait3A_42] : memref<101x128xi32, #tpu.memory_space<vmem>> -> memref<56x128xi32, #tpu.memory_space<vmem>>
        %dma_wait3A_44 = arith.constant 0 : i32
        %dma_wait3A_45 = arith.constant 0 : i32
        %dma_wait3A_46 = tpu.memref_slice %arg3[%run_scoped3A_20, %arg1, %dma_wait3A_44, %dma_wait3A_45] : memref<2x16x56x128xi32, #tpu.memory_space<hbm>> -> memref<1x1x56x128xi32, #tpu.memory_space<hbm>>
        %dma_wait3A_47 = tpu.memref_squeeze %dma_wait3A_46 : memref<1x1x56x128xi32, #tpu.memory_space<hbm>> -> memref<56x128xi32, #tpu.memory_space<hbm>>
        tpu.wait_dma2 semaphore(%run_scoped3A_21 : memref<!tpu.dma_semaphore, #tpu.memory_space<semaphore_mem>>) src(%dma_wait3A_47 : memref<56x128xi32, #tpu.memory_space<hbm>>) dst(%dma_wait3A_43 : memref<56x128xi32, #tpu.memory_space<vmem>>)
        tpu.yield
      }) : () -> ()
    } else {
    }
    %ne3A = arith.constant 0 : i32
    %ne3A_3 = arith.cmpi ne, %arg0, %ne3A : i32
    %convert_element_type3A_4 = arith.extui %ne3A_3 : i1 to i32
    %cond3A_5 = arith.constant 0 : i32
    %cond3A_6 = arith.cmpi ne, %convert_element_type3A_4, %cond3A_5 : i32
    scf.if %cond3A_6 {
      "tpu.region"() ({
        %run_scoped3A_21 = tpu.sem_alloc : memref<!tpu.dma_semaphore, #tpu.memory_space<semaphore_mem>>
        %dma_start3A = arith.constant 0 : i32
        %dma_start3A_22 = tpu.memref_slice %arg10[%mul3A_0, %dma_start3A] : memref<10112x128xf32, #tpu.memory_space<vmem_shared>> -> memref<632x128xf32, #tpu.memory_space<vmem_shared>>
        %dma_start3A_23 = arith.constant 0 : i32
        %dma_start3A_24 = tpu.memref_slice %arg5[%mul3A_0, %dma_start3A_23] : memref<10112x128xf32, #tpu.memory_space<hbm>> -> memref<632x128xf32, #tpu.memory_space<hbm>>
        tpu.enqueue_dma source(%dma_start3A_24 : memref<632x128xf32, #tpu.memory_space<hbm>>) target(%dma_start3A_22 : memref<632x128xf32, #tpu.memory_space<vmem_shared>>) target_semaphore(%run_scoped3A_21 : memref<!tpu.dma_semaphore, #tpu.memory_space<semaphore_mem>>)
        %dma_wait3A = arith.constant 0 : i32
        %dma_wait3A_25 = tpu.memref_slice %arg10[%mul3A_0, %dma_wait3A] : memref<10112x128xf32, #tpu.memory_space<vmem_shared>> -> memref<632x128xf32, #tpu.memory_space<vmem_shared>>
        %dma_wait3A_26 = arith.constant 0 : i32
        %dma_wait3A_27 = tpu.memref_slice %arg5[%mul3A_0, %dma_wait3A_26] : memref<10112x128xf32, #tpu.memory_space<hbm>> -> memref<632x128xf32, #tpu.memory_space<hbm>>
        tpu.wait_dma2 semaphore(%run_scoped3A_21 : memref<!tpu.dma_semaphore, #tpu.memory_space<semaphore_mem>>) src(%dma_wait3A_27 : memref<632x128xf32, #tpu.memory_space<hbm>>) dst(%dma_wait3A_25 : memref<632x128xf32, #tpu.memory_space<vmem_shared>>)
        tpu.yield
      }) : () -> ()
      %run_scoped3A = arith.constant 0 : i32
      "tpu.region"() ({
        %run_scoped3A_21 = tpu.sem_alloc : memref<!tpu.dma_semaphore, #tpu.memory_space<semaphore_mem>>
        %dma_start3A = arith.constant 0 : i32
        %dma_start3A_22 = arith.constant 0 : i32
        %dma_start3A_23 = tpu.memref_slice %arg7[%dma_start3A, %dma_start3A_22] : memref<101x128xi32, #tpu.memory_space<vmem>> -> memref<101x128xi32, #tpu.memory_space<vmem>>
        %dma_start3A_24 = arith.constant 0 : i32
        %dma_start3A_25 = arith.constant 0 : i32
        %dma_start3A_26 = tpu.memref_slice %arg4[%run_scoped3A, %arg1, %dma_start3A_24, %dma_start3A_25] : memref<2x16x101x128xi32, #tpu.memory_space<hbm>> -> memref<1x1x101x128xi32, #tpu.memory_space<hbm>>
        %dma_start3A_27 = tpu.memref_squeeze %dma_start3A_26 : memref<1x1x101x128xi32, #tpu.memory_space<hbm>> -> memref<101x128xi32, #tpu.memory_space<hbm>>
        %dma_start3A_28 = arith.constant 0 : i32
        %dma_start3A_29 = arith.constant 0 : i32
        %dma_start3A_30 = tpu.memref_slice %arg7[%dma_start3A_28, %dma_start3A_29] : memref<101x128xi32, #tpu.memory_space<vmem>> -> memref<101x128xi32, #tpu.memory_space<vmem>>
        %dma_start3A_31 = arith.constant 0 : i32
        %dma_start3A_32 = arith.constant 0 : i32
        %dma_start3A_33 = tpu.memref_slice %arg4[%run_scoped3A, %arg1, %dma_start3A_31, %dma_start3A_32] : memref<2x16x101x128xi32, #tpu.memory_space<hbm>> -> memref<1x1x101x128xi32, #tpu.memory_space<hbm>>
        %dma_start3A_34 = tpu.memref_squeeze %dma_start3A_33 : memref<1x1x101x128xi32, #tpu.memory_space<hbm>> -> memref<101x128xi32, #tpu.memory_space<hbm>>
        tpu.enqueue_dma source(%dma_start3A_34 : memref<101x128xi32, #tpu.memory_space<hbm>>) target(%dma_start3A_30 : memref<101x128xi32, #tpu.memory_space<vmem>>) target_semaphore(%run_scoped3A_21 : memref<!tpu.dma_semaphore, #tpu.memory_space<semaphore_mem>>)
        %dma_wait3A = arith.constant 0 : i32
        %dma_wait3A_35 = arith.constant 0 : i32
        %dma_wait3A_36 = tpu.memref_slice %arg7[%dma_wait3A, %dma_wait3A_35] : memref<101x128xi32, #tpu.memory_space<vmem>> -> memref<101x128xi32, #tpu.memory_space<vmem>>
        %dma_wait3A_37 = arith.constant 0 : i32
        %dma_wait3A_38 = arith.constant 0 : i32
        %dma_wait3A_39 = tpu.memref_slice %arg4[%run_scoped3A, %arg1, %dma_wait3A_37, %dma_wait3A_38] : memref<2x16x101x128xi32, #tpu.memory_space<hbm>> -> memref<1x1x101x128xi32, #tpu.memory_space<hbm>>
        %dma_wait3A_40 = tpu.memref_squeeze %dma_wait3A_39 : memref<1x1x101x128xi32, #tpu.memory_space<hbm>> -> memref<101x128xi32, #tpu.memory_space<hbm>>
        %dma_wait3A_41 = arith.constant 0 : i32
        %dma_wait3A_42 = arith.constant 0 : i32
        %dma_wait3A_43 = tpu.memref_slice %arg7[%dma_wait3A_41, %dma_wait3A_42] : memref<101x128xi32, #tpu.memory_space<vmem>> -> memref<101x128xi32, #tpu.memory_space<vmem>>
        %dma_wait3A_44 = arith.constant 0 : i32
        %dma_wait3A_45 = arith.constant 0 : i32
        %dma_wait3A_46 = tpu.memref_slice %arg4[%run_scoped3A, %arg1, %dma_wait3A_44, %dma_wait3A_45] : memref<2x16x101x128xi32, #tpu.memory_space<hbm>> -> memref<1x1x101x128xi32, #tpu.memory_space<hbm>>
        %dma_wait3A_47 = tpu.memref_squeeze %dma_wait3A_46 : memref<1x1x101x128xi32, #tpu.memory_space<hbm>> -> memref<101x128xi32, #tpu.memory_space<hbm>>
        tpu.wait_dma2 semaphore(%run_scoped3A_21 : memref<!tpu.dma_semaphore, #tpu.memory_space<semaphore_mem>>) src(%dma_wait3A_47 : memref<101x128xi32, #tpu.memory_space<hbm>>) dst(%dma_wait3A_43 : memref<101x128xi32, #tpu.memory_space<vmem>>)
        tpu.yield
      }) : () -> ()
      %run_scoped3A_20 = arith.constant 1 : i32
      "tpu.region"() ({
        %run_scoped3A_21 = tpu.sem_alloc : memref<!tpu.dma_semaphore, #tpu.memory_space<semaphore_mem>>
        %dma_start3A = arith.constant 0 : i32
        %dma_start3A_22 = arith.constant 0 : i32
        %dma_start3A_23 = tpu.memref_slice %arg8[%dma_start3A, %dma_start3A_22] : memref<101x128xi32, #tpu.memory_space<vmem>> -> memref<101x128xi32, #tpu.memory_space<vmem>>
        %dma_start3A_24 = arith.constant 0 : i32
        %dma_start3A_25 = arith.constant 0 : i32
        %dma_start3A_26 = tpu.memref_slice %arg4[%run_scoped3A_20, %arg1, %dma_start3A_24, %dma_start3A_25] : memref<2x16x101x128xi32, #tpu.memory_space<hbm>> -> memref<1x1x101x128xi32, #tpu.memory_space<hbm>>
        %dma_start3A_27 = tpu.memref_squeeze %dma_start3A_26 : memref<1x1x101x128xi32, #tpu.memory_space<hbm>> -> memref<101x128xi32, #tpu.memory_space<hbm>>
        %dma_start3A_28 = arith.constant 0 : i32
        %dma_start3A_29 = arith.constant 0 : i32
        %dma_start3A_30 = tpu.memref_slice %arg8[%dma_start3A_28, %dma_start3A_29] : memref<101x128xi32, #tpu.memory_space<vmem>> -> memref<101x128xi32, #tpu.memory_space<vmem>>
        %dma_start3A_31 = arith.constant 0 : i32
        %dma_start3A_32 = arith.constant 0 : i32
        %dma_start3A_33 = tpu.memref_slice %arg4[%run_scoped3A_20, %arg1, %dma_start3A_31, %dma_start3A_32] : memref<2x16x101x128xi32, #tpu.memory_space<hbm>> -> memref<1x1x101x128xi32, #tpu.memory_space<hbm>>
        %dma_start3A_34 = tpu.memref_squeeze %dma_start3A_33 : memref<1x1x101x128xi32, #tpu.memory_space<hbm>> -> memref<101x128xi32, #tpu.memory_space<hbm>>
        tpu.enqueue_dma source(%dma_start3A_34 : memref<101x128xi32, #tpu.memory_space<hbm>>) target(%dma_start3A_30 : memref<101x128xi32, #tpu.memory_space<vmem>>) target_semaphore(%run_scoped3A_21 : memref<!tpu.dma_semaphore, #tpu.memory_space<semaphore_mem>>)
        %dma_wait3A = arith.constant 0 : i32
        %dma_wait3A_35 = arith.constant 0 : i32
        %dma_wait3A_36 = tpu.memref_slice %arg8[%dma_wait3A, %dma_wait3A_35] : memref<101x128xi32, #tpu.memory_space<vmem>> -> memref<101x128xi32, #tpu.memory_space<vmem>>
        %dma_wait3A_37 = arith.constant 0 : i32
        %dma_wait3A_38 = arith.constant 0 : i32
        %dma_wait3A_39 = tpu.memref_slice %arg4[%run_scoped3A_20, %arg1, %dma_wait3A_37, %dma_wait3A_38] : memref<2x16x101x128xi32, #tpu.memory_space<hbm>> -> memref<1x1x101x128xi32, #tpu.memory_space<hbm>>
        %dma_wait3A_40 = tpu.memref_squeeze %dma_wait3A_39 : memref<1x1x101x128xi32, #tpu.memory_space<hbm>> -> memref<101x128xi32, #tpu.memory_space<hbm>>
        %dma_wait3A_41 = arith.constant 0 : i32
        %dma_wait3A_42 = arith.constant 0 : i32
        %dma_wait3A_43 = tpu.memref_slice %arg8[%dma_wait3A_41, %dma_wait3A_42] : memref<101x128xi32, #tpu.memory_space<vmem>> -> memref<101x128xi32, #tpu.memory_space<vmem>>
        %dma_wait3A_44 = arith.constant 0 : i32
        %dma_wait3A_45 = arith.constant 0 : i32
        %dma_wait3A_46 = tpu.memref_slice %arg4[%run_scoped3A_20, %arg1, %dma_wait3A_44, %dma_wait3A_45] : memref<2x16x101x128xi32, #tpu.memory_space<hbm>> -> memref<1x1x101x128xi32, #tpu.memory_space<hbm>>
        %dma_wait3A_47 = tpu.memref_squeeze %dma_wait3A_46 : memref<1x1x101x128xi32, #tpu.memory_space<hbm>> -> memref<101x128xi32, #tpu.memory_space<hbm>>
        tpu.wait_dma2 semaphore(%run_scoped3A_21 : memref<!tpu.dma_semaphore, #tpu.memory_space<semaphore_mem>>) src(%dma_wait3A_47 : memref<101x128xi32, #tpu.memory_space<hbm>>) dst(%dma_wait3A_43 : memref<101x128xi32, #tpu.memory_space<vmem>>)
        tpu.yield
      }) : () -> ()
    } else {
    }
    %barrier3A = arith.constant 0 : index
    tpu.barrier barrier_id(%barrier3A)
    %eq3A_7 = arith.constant 0 : i32
    %eq3A_8 = arith.cmpi eq, %arg0, %eq3A_7 : i32
    %jit3A = arith.constant 56 : i32
    %jit3A_9 = arith.constant 101 : i32
    %select_n3A = arith.select %eq3A_8, %jit3A, %jit3A_9 : i32
    %while3A = arith.constant 0 : i32
    %while3A_10 = arith.constant 0 : i32
    %while3A_11 = arith.subi %select_n3A, %while3A_10 : i32
    %while3A_12 = arith.addi %while3A_10, %while3A_11 : i32
    %while3A_13 = arith.constant 1 : i32
    %while3A_14 = arith.divsi %while3A_11, %while3A_13 : i32
    %while3A_15 = arith.muli %while3A_14, %while3A_13 : i32
    %while3A_16 = arith.addi %while3A_10, %while3A_15 : i32
    %while3A_17 = arith.constant 1 : i32
    scf.for %while3A_20 = %while3A_10 to %while3A_16 step %while3A_17  : i32 {
      %dma_start3A = arith.constant 0 : i32
      %dma_start3A_21 = tpu.memref_slice %arg7[%while3A_20, %dma_start3A] : memref<101x128xi32, #tpu.memory_space<vmem>> -> memref<1x128xi32, #tpu.memory_space<vmem>>
      %dma_start3A_22 = tpu.memref_squeeze %dma_start3A_21 : memref<1x128xi32, #tpu.memory_space<vmem>> -> memref<128xi32, #tpu.memory_space<vmem>>
      %dma_start3A_23 = arith.constant 0 : i32
      %dma_start3A_24 = arith.constant 0 : i32
      %dma_start3A_25 = tpu.memref_slice %arg2[%dma_start3A_23, %dma_start3A_24] : memref<10112x128xf32, #tpu.memory_space<hbm>> -> memref<10112x128xf32, #tpu.memory_space<hbm>>
      tpu.enqueue_indirect_dma source(%dma_start3A_25 : memref<10112x128xf32, #tpu.memory_space<hbm>>) target(%arg9 : memref<128x128xf32, #tpu.memory_space<vmem>>) offsets(%dma_start3A_22 : memref<128xi32, #tpu.memory_space<vmem>>) semaphore(%arg11 : memref<!tpu.dma_semaphore, #tpu.memory_space<semaphore_mem>>)
      %dma_wait3A = arith.constant 0 : i32
      %dma_wait3A_26 = tpu.memref_slice %arg7[%while3A_20, %dma_wait3A] : memref<101x128xi32, #tpu.memory_space<vmem>> -> memref<1x128xi32, #tpu.memory_space<vmem>>
      %dma_wait3A_27 = tpu.memref_squeeze %dma_wait3A_26 : memref<1x128xi32, #tpu.memory_space<vmem>> -> memref<128xi32, #tpu.memory_space<vmem>>
      %dma_wait3A_28 = arith.constant 0 : i32
      %dma_wait3A_29 = arith.constant 0 : i32
      %dma_wait3A_30 = tpu.memref_slice %arg2[%dma_wait3A_28, %dma_wait3A_29] : memref<10112x128xf32, #tpu.memory_space<hbm>> -> memref<10112x128xf32, #tpu.memory_space<hbm>>
      tpu.wait_indirect_dma semaphore(%arg11 : memref<!tpu.dma_semaphore, #tpu.memory_space<semaphore_mem>>) src(%dma_wait3A_30 : memref<10112x128xf32, #tpu.memory_space<hbm>>) dst(%arg9 : memref<128x128xf32, #tpu.memory_space<vmem>>)
      "tpu.region"() ({
        %run_scoped3A = tpu.sem_alloc : memref<!tpu.dma_semaphore, #tpu.memory_space<semaphore_mem>>
        %dma_start3A_31 = arith.constant 0 : i32
        %dma_start3A_32 = tpu.memref_slice %arg8[%while3A_20, %dma_start3A_31] : memref<101x128xi32, #tpu.memory_space<vmem>> -> memref<1x128xi32, #tpu.memory_space<vmem>>
        %dma_start3A_33 = tpu.memref_squeeze %dma_start3A_32 : memref<1x128xi32, #tpu.memory_space<vmem>> -> memref<128xi32, #tpu.memory_space<vmem>>
        %dma_start3A_34 = arith.constant 0 : i32
        %dma_start3A_35 = arith.constant 0 : i32
        %dma_start3A_36 = tpu.memref_slice %arg10[%dma_start3A_34, %dma_start3A_35] : memref<10112x128xf32, #tpu.memory_space<vmem_shared>> -> memref<10112x128xf32, #tpu.memory_space<vmem_shared>>
        tpu.enqueue_indirect_dma source(%arg9 : memref<128x128xf32, #tpu.memory_space<vmem>>) target(%dma_start3A_36 : memref<10112x128xf32, #tpu.memory_space<vmem_shared>>) offsets(%dma_start3A_33 : memref<128xi32, #tpu.memory_space<vmem>>) semaphore(%run_scoped3A : memref<!tpu.dma_semaphore, #tpu.memory_space<semaphore_mem>>) {add = true}
        %dma_wait3A_37 = arith.constant 0 : i32
        %dma_wait3A_38 = tpu.memref_slice %arg8[%while3A_20, %dma_wait3A_37] : memref<101x128xi32, #tpu.memory_space<vmem>> -> memref<1x128xi32, #tpu.memory_space<vmem>>
        %dma_wait3A_39 = tpu.memref_squeeze %dma_wait3A_38 : memref<1x128xi32, #tpu.memory_space<vmem>> -> memref<128xi32, #tpu.memory_space<vmem>>
        %dma_wait3A_40 = arith.constant 0 : i32
        %dma_wait3A_41 = arith.constant 0 : i32
        %dma_wait3A_42 = tpu.memref_slice %arg10[%dma_wait3A_40, %dma_wait3A_41] : memref<10112x128xf32, #tpu.memory_space<vmem_shared>> -> memref<10112x128xf32, #tpu.memory_space<vmem_shared>>
        tpu.wait_indirect_dma semaphore(%run_scoped3A : memref<!tpu.dma_semaphore, #tpu.memory_space<semaphore_mem>>) src(%arg9 : memref<128x128xf32, #tpu.memory_space<vmem>>) dst(%dma_wait3A_42 : memref<10112x128xf32, #tpu.memory_space<vmem_shared>>)
        tpu.yield
      }) : () -> ()
    }
    %while3A_18 = arith.constant 1 : i32
    scf.for %while3A_20 = %while3A_16 to %while3A_12 step %while3A_18  : i32 {
      %dma_start3A = arith.constant 0 : i32
      %dma_start3A_21 = tpu.memref_slice %arg7[%while3A_20, %dma_start3A] : memref<101x128xi32, #tpu.memory_space<vmem>> -> memref<1x128xi32, #tpu.memory_space<vmem>>
      %dma_start3A_22 = tpu.memref_squeeze %dma_start3A_21 : memref<1x128xi32, #tpu.memory_space<vmem>> -> memref<128xi32, #tpu.memory_space<vmem>>
      %dma_start3A_23 = arith.constant 0 : i32
      %dma_start3A_24 = arith.constant 0 : i32
      %dma_start3A_25 = tpu.memref_slice %arg2[%dma_start3A_23, %dma_start3A_24] : memref<10112x128xf32, #tpu.memory_space<hbm>> -> memref<10112x128xf32, #tpu.memory_space<hbm>>
      tpu.enqueue_indirect_dma source(%dma_start3A_25 : memref<10112x128xf32, #tpu.memory_space<hbm>>) target(%arg9 : memref<128x128xf32, #tpu.memory_space<vmem>>) offsets(%dma_start3A_22 : memref<128xi32, #tpu.memory_space<vmem>>) semaphore(%arg11 : memref<!tpu.dma_semaphore, #tpu.memory_space<semaphore_mem>>)
      %dma_wait3A = arith.constant 0 : i32
      %dma_wait3A_26 = tpu.memref_slice %arg7[%while3A_20, %dma_wait3A] : memref<101x128xi32, #tpu.memory_space<vmem>> -> memref<1x128xi32, #tpu.memory_space<vmem>>
      %dma_wait3A_27 = tpu.memref_squeeze %dma_wait3A_26 : memref<1x128xi32, #tpu.memory_space<vmem>> -> memref<128xi32, #tpu.memory_space<vmem>>
      %dma_wait3A_28 = arith.constant 0 : i32
      %dma_wait3A_29 = arith.constant 0 : i32
      %dma_wait3A_30 = tpu.memref_slice %arg2[%dma_wait3A_28, %dma_wait3A_29] : memref<10112x128xf32, #tpu.memory_space<hbm>> -> memref<10112x128xf32, #tpu.memory_space<hbm>>
      tpu.wait_indirect_dma semaphore(%arg11 : memref<!tpu.dma_semaphore, #tpu.memory_space<semaphore_mem>>) src(%dma_wait3A_30 : memref<10112x128xf32, #tpu.memory_space<hbm>>) dst(%arg9 : memref<128x128xf32, #tpu.memory_space<vmem>>)
      "tpu.region"() ({
        %run_scoped3A = tpu.sem_alloc : memref<!tpu.dma_semaphore, #tpu.memory_space<semaphore_mem>>
        %dma_start3A_31 = arith.constant 0 : i32
        %dma_start3A_32 = tpu.memref_slice %arg8[%while3A_20, %dma_start3A_31] : memref<101x128xi32, #tpu.memory_space<vmem>> -> memref<1x128xi32, #tpu.memory_space<vmem>>
        %dma_start3A_33 = tpu.memref_squeeze %dma_start3A_32 : memref<1x128xi32, #tpu.memory_space<vmem>> -> memref<128xi32, #tpu.memory_space<vmem>>
        %dma_start3A_34 = arith.constant 0 : i32
        %dma_start3A_35 = arith.constant 0 : i32
        %dma_start3A_36 = tpu.memref_slice %arg10[%dma_start3A_34, %dma_start3A_35] : memref<10112x128xf32, #tpu.memory_space<vmem_shared>> -> memref<10112x128xf32, #tpu.memory_space<vmem_shared>>
        tpu.enqueue_indirect_dma source(%arg9 : memref<128x128xf32, #tpu.memory_space<vmem>>) target(%dma_start3A_36 : memref<10112x128xf32, #tpu.memory_space<vmem_shared>>) offsets(%dma_start3A_33 : memref<128xi32, #tpu.memory_space<vmem>>) semaphore(%run_scoped3A : memref<!tpu.dma_semaphore, #tpu.memory_space<semaphore_mem>>) {add = true}
        %dma_wait3A_37 = arith.constant 0 : i32
        %dma_wait3A_38 = tpu.memref_slice %arg8[%while3A_20, %dma_wait3A_37] : memref<101x128xi32, #tpu.memory_space<vmem>> -> memref<1x128xi32, #tpu.memory_space<vmem>>
        %dma_wait3A_39 = tpu.memref_squeeze %dma_wait3A_38 : memref<1x128xi32, #tpu.memory_space<vmem>> -> memref<128xi32, #tpu.memory_space<vmem>>
        %dma_wait3A_40 = arith.constant 0 : i32
        %dma_wait3A_41 = arith.constant 0 : i32
        %dma_wait3A_42 = tpu.memref_slice %arg10[%dma_wait3A_40, %dma_wait3A_41] : memref<10112x128xf32, #tpu.memory_space<vmem_shared>> -> memref<10112x128xf32, #tpu.memory_space<vmem_shared>>
        tpu.wait_indirect_dma semaphore(%run_scoped3A : memref<!tpu.dma_semaphore, #tpu.memory_space<semaphore_mem>>) src(%arg9 : memref<128x128xf32, #tpu.memory_space<vmem>>) dst(%dma_wait3A_42 : memref<10112x128xf32, #tpu.memory_space<vmem_shared>>)
        tpu.yield
      }) : () -> ()
    }
    %barrier3A_19 = arith.constant 0 : index
    tpu.barrier barrier_id(%barrier3A_19)
    "tpu.region"() ({
      %run_scoped3A = tpu.sem_alloc : memref<!tpu.dma_semaphore, #tpu.memory_space<semaphore_mem>>
      %dma_start3A = arith.constant 0 : i32
      %dma_start3A_20 = tpu.memref_slice %arg6[%arg0, %mul3A_0, %dma_start3A] : memref<2x10112x128xf32, #tpu.memory_space<hbm>> -> memref<1x632x128xf32, #tpu.memory_space<hbm>>
      %dma_start3A_21 = tpu.memref_squeeze %dma_start3A_20 : memref<1x632x128xf32, #tpu.memory_space<hbm>> -> memref<632x128xf32, #tpu.memory_space<hbm>>
      %dma_start3A_22 = arith.constant 0 : i32
      %dma_start3A_23 = tpu.memref_slice %arg10[%mul3A_0, %dma_start3A_22] : memref<10112x128xf32, #tpu.memory_space<vmem_shared>> -> memref<632x128xf32, #tpu.memory_space<vmem_shared>>
      tpu.enqueue_dma source(%dma_start3A_23 : memref<632x128xf32, #tpu.memory_space<vmem_shared>>) target(%dma_start3A_21 : memref<632x128xf32, #tpu.memory_space<hbm>>) target_semaphore(%run_scoped3A : memref<!tpu.dma_semaphore, #tpu.memory_space<semaphore_mem>>)
      %dma_wait3A = arith.constant 0 : i32
      %dma_wait3A_24 = tpu.memref_slice %arg6[%arg0, %mul3A_0, %dma_wait3A] : memref<2x10112x128xf32, #tpu.memory_space<hbm>> -> memref<1x632x128xf32, #tpu.memory_space<hbm>>
      %dma_wait3A_25 = tpu.memref_squeeze %dma_wait3A_24 : memref<1x632x128xf32, #tpu.memory_space<hbm>> -> memref<632x128xf32, #tpu.memory_space<hbm>>
      %dma_wait3A_26 = arith.constant 0 : i32
      %dma_wait3A_27 = tpu.memref_slice %arg10[%mul3A_0, %dma_wait3A_26] : memref<10112x128xf32, #tpu.memory_space<vmem_shared>> -> memref<632x128xf32, #tpu.memory_space<vmem_shared>>
      tpu.wait_dma2 semaphore(%run_scoped3A : memref<!tpu.dma_semaphore, #tpu.memory_space<semaphore_mem>>) src(%dma_wait3A_27 : memref<632x128xf32, #tpu.memory_space<vmem_shared>>) dst(%dma_wait3A_25 : memref<632x128xf32, #tpu.memory_space<hbm>>)
      tpu.yield
    }) : () -> ()
    return
  }
}

#map = affine_map<(d0, d1) -> (0, 0)>
#map1 = affine_map<(d0, d1) -> (0, 0, 0, 0)>
#map2 = affine_map<(d0, d1) -> (0, 0, 0)>
module attributes {stable_mosaic.version = 14 : i64} {
  func.func @_spmm_body(%arg0: i32, %arg1: i32, %arg2: memref<10112x128xf32, #tpu.memory_space<hbm>>, %arg3: memref<2x16x56x128xi32, #tpu.memory_space<hbm>>, %arg4: memref<2x16x101x128xi32, #tpu.memory_space<hbm>>, %arg5: memref<10112x128xf32, #tpu.memory_space<hbm>>, %arg6: memref<2x10112x128xf32, #tpu.memory_space<hbm>>, %arg7: memref<101x128xi32, #tpu.memory_space<vmem>>, %arg8: memref<101x128xi32, #tpu.memory_space<vmem>>, %arg9: memref<128x128xf32, #tpu.memory_space<vmem>>, %arg10: memref<10112x128xf32, #tpu.memory_space<vmem_shared>>, %arg11: memref<!tpu.dma_semaphore, #tpu.memory_space<semaphore_mem>>) attributes {dimension_semantics = [#tpu.dimension_semantics<core_parallel>, #tpu.dimension_semantics<subcore_parallel>], iteration_bounds = array<i64: 2, 16>, scalar_prefetch = 0 : i64, scratch_operands = 5 : i64, tpu.core_type = #tpu.core_type<sc_vector_subcore>, window_params = [{transform_indices = #map}, {transform_indices = #map1}, {transform_indices = #map1}, {transform_indices = #map}, {transform_indices = #map2}]} {
    %mul3A = arith.constant 632 : i32
    %mul3A_0 = arith.muli %arg1, %mul3A : i32
    %eq3A = arith.constant 0 : i32
    %eq3A_1 = arith.cmpi eq, %arg0, %eq3A : i32
    %convert_element_type3A = arith.extui %eq3A_1 : i1 to i32
    %cond3A = arith.constant 0 : i32
    %cond3A_2 = arith.cmpi ne, %convert_element_type3A, %cond3A : i32
    scf.if %cond3A_2 {
      "tpu.region"() ({
        %run_scoped3A_21 = tpu.sem_alloc : memref<!tpu.dma_semaphore, #tpu.memory_space<semaphore_mem>>
        %dma_start3A = arith.constant 0 : i32
        %dma_start3A_22 = tpu.memref_slice %arg10[%mul3A_0, %dma_start3A] : memref<10112x128xf32, #tpu.memory_space<vmem_shared>> -> memref<632x128xf32, #tpu.memory_space<vmem_shared>>
        %dma_start3A_23 = arith.constant 0 : i32
        %dma_start3A_24 = tpu.memref_slice %arg2[%mul3A_0, %dma_start3A_23] : memref<10112x128xf32, #tpu.memory_space<hbm>> -> memref<632x128xf32, #tpu.memory_space<hbm>>
        tpu.enqueue_dma source(%dma_start3A_24 : memref<632x128xf32, #tpu.memory_space<hbm>>) target(%dma_start3A_22 : memref<632x128xf32, #tpu.memory_space<vmem_shared>>) target_semaphore(%run_scoped3A_21 : memref<!tpu.dma_semaphore, #tpu.memory_space<semaphore_mem>>)
        %dma_wait3A = arith.constant 0 : i32
        %dma_wait3A_25 = tpu.memref_slice %arg10[%mul3A_0, %dma_wait3A] : memref<10112x128xf32, #tpu.memory_space<vmem_shared>> -> memref<632x128xf32, #tpu.memory_space<vmem_shared>>
        %dma_wait3A_26 = arith.constant 0 : i32
        %dma_wait3A_27 = tpu.memref_slice %arg2[%mul3A_0, %dma_wait3A_26] : memref<10112x128xf32, #tpu.memory_space<hbm>> -> memref<632x128xf32, #tpu.memory_space<hbm>>
        tpu.wait_dma2 semaphore(%run_scoped3A_21 : memref<!tpu.dma_semaphore, #tpu.memory_space<semaphore_mem>>) src(%dma_wait3A_27 : memref<632x128xf32, #tpu.memory_space<hbm>>) dst(%dma_wait3A_25 : memref<632x128xf32, #tpu.memory_space<vmem_shared>>)
        tpu.yield
      }) : () -> ()
      %run_scoped3A = arith.constant 0 : i32
      "tpu.region"() ({
        %run_scoped3A_21 = tpu.sem_alloc : memref<!tpu.dma_semaphore, #tpu.memory_space<semaphore_mem>>
        %dma_start3A = arith.constant 0 : i32
        %dma_start3A_22 = arith.constant 0 : i32
        %dma_start3A_23 = tpu.memref_slice %arg7[%dma_start3A, %dma_start3A_22] : memref<101x128xi32, #tpu.memory_space<vmem>> -> memref<56x128xi32, #tpu.memory_space<vmem>>
        %dma_start3A_24 = arith.constant 0 : i32
        %dma_start3A_25 = arith.constant 0 : i32
        %dma_start3A_26 = tpu.memref_slice %arg3[%run_scoped3A, %arg1, %dma_start3A_24, %dma_start3A_25] : memref<2x16x56x128xi32, #tpu.memory_space<hbm>> -> memref<1x1x56x128xi32, #tpu.memory_space<hbm>>
        %dma_start3A_27 = tpu.memref_squeeze %dma_start3A_26 : memref<1x1x56x128xi32, #tpu.memory_space<hbm>> -> memref<56x128xi32, #tpu.memory_space<hbm>>
        %dma_start3A_28 = arith.constant 0 : i32
        %dma_start3A_29 = arith.constant 0 : i32
        %dma_start3A_30 = tpu.memref_slice %arg7[%dma_start3A_28, %dma_start3A_29] : memref<101x128xi32, #tpu.memory_space<vmem>> -> memref<56x128xi32, #tpu.memory_space<vmem>>
        %dma_start3A_31 = arith.constant 0 : i32
        %dma_start3A_32 = arith.constant 0 : i32
        %dma_start3A_33 = tpu.memref_slice %arg3[%run_scoped3A, %arg1, %dma_start3A_31, %dma_start3A_32] : memref<2x16x56x128xi32, #tpu.memory_space<hbm>> -> memref<1x1x56x128xi32, #tpu.memory_space<hbm>>
        %dma_start3A_34 = tpu.memref_squeeze %dma_start3A_33 : memref<1x1x56x128xi32, #tpu.memory_space<hbm>> -> memref<56x128xi32, #tpu.memory_space<hbm>>
        tpu.enqueue_dma source(%dma_start3A_34 : memref<56x128xi32, #tpu.memory_space<hbm>>) target(%dma_start3A_30 : memref<56x128xi32, #tpu.memory_space<vmem>>) target_semaphore(%run_scoped3A_21 : memref<!tpu.dma_semaphore, #tpu.memory_space<semaphore_mem>>)
        %dma_wait3A = arith.constant 0 : i32
        %dma_wait3A_35 = arith.constant 0 : i32
        %dma_wait3A_36 = tpu.memref_slice %arg7[%dma_wait3A, %dma_wait3A_35] : memref<101x128xi32, #tpu.memory_space<vmem>> -> memref<56x128xi32, #tpu.memory_space<vmem>>
        %dma_wait3A_37 = arith.constant 0 : i32
        %dma_wait3A_38 = arith.constant 0 : i32
        %dma_wait3A_39 = tpu.memref_slice %arg3[%run_scoped3A, %arg1, %dma_wait3A_37, %dma_wait3A_38] : memref<2x16x56x128xi32, #tpu.memory_space<hbm>> -> memref<1x1x56x128xi32, #tpu.memory_space<hbm>>
        %dma_wait3A_40 = tpu.memref_squeeze %dma_wait3A_39 : memref<1x1x56x128xi32, #tpu.memory_space<hbm>> -> memref<56x128xi32, #tpu.memory_space<hbm>>
        %dma_wait3A_41 = arith.constant 0 : i32
        %dma_wait3A_42 = arith.constant 0 : i32
        %dma_wait3A_43 = tpu.memref_slice %arg7[%dma_wait3A_41, %dma_wait3A_42] : memref<101x128xi32, #tpu.memory_space<vmem>> -> memref<56x128xi32, #tpu.memory_space<vmem>>
        %dma_wait3A_44 = arith.constant 0 : i32
        %dma_wait3A_45 = arith.constant 0 : i32
        %dma_wait3A_46 = tpu.memref_slice %arg3[%run_scoped3A, %arg1, %dma_wait3A_44, %dma_wait3A_45] : memref<2x16x56x128xi32, #tpu.memory_space<hbm>> -> memref<1x1x56x128xi32, #tpu.memory_space<hbm>>
        %dma_wait3A_47 = tpu.memref_squeeze %dma_wait3A_46 : memref<1x1x56x128xi32, #tpu.memory_space<hbm>> -> memref<56x128xi32, #tpu.memory_space<hbm>>
        tpu.wait_dma2 semaphore(%run_scoped3A_21 : memref<!tpu.dma_semaphore, #tpu.memory_space<semaphore_mem>>) src(%dma_wait3A_47 : memref<56x128xi32, #tpu.memory_space<hbm>>) dst(%dma_wait3A_43 : memref<56x128xi32, #tpu.memory_space<vmem>>)
        tpu.yield
      }) : () -> ()
      %run_scoped3A_20 = arith.constant 1 : i32
      "tpu.region"() ({
        %run_scoped3A_21 = tpu.sem_alloc : memref<!tpu.dma_semaphore, #tpu.memory_space<semaphore_mem>>
        %dma_start3A = arith.constant 0 : i32
        %dma_start3A_22 = arith.constant 0 : i32
        %dma_start3A_23 = tpu.memref_slice %arg8[%dma_start3A, %dma_start3A_22] : memref<101x128xi32, #tpu.memory_space<vmem>> -> memref<56x128xi32, #tpu.memory_space<vmem>>
        %dma_start3A_24 = arith.constant 0 : i32
        %dma_start3A_25 = arith.constant 0 : i32
        %dma_start3A_26 = tpu.memref_slice %arg3[%run_scoped3A_20, %arg1, %dma_start3A_24, %dma_start3A_25] : memref<2x16x56x128xi32, #tpu.memory_space<hbm>> -> memref<1x1x56x128xi32, #tpu.memory_space<hbm>>
        %dma_start3A_27 = tpu.memref_squeeze %dma_start3A_26 : memref<1x1x56x128xi32, #tpu.memory_space<hbm>> -> memref<56x128xi32, #tpu.memory_space<hbm>>
        %dma_start3A_28 = arith.constant 0 : i32
        %dma_start3A_29 = arith.constant 0 : i32
        %dma_start3A_30 = tpu.memref_slice %arg8[%dma_start3A_28, %dma_start3A_29] : memref<101x128xi32, #tpu.memory_space<vmem>> -> memref<56x128xi32, #tpu.memory_space<vmem>>
        %dma_start3A_31 = arith.constant 0 : i32
        %dma_start3A_32 = arith.constant 0 : i32
        %dma_start3A_33 = tpu.memref_slice %arg3[%run_scoped3A_20, %arg1, %dma_start3A_31, %dma_start3A_32] : memref<2x16x56x128xi32, #tpu.memory_space<hbm>> -> memref<1x1x56x128xi32, #tpu.memory_space<hbm>>
        %dma_start3A_34 = tpu.memref_squeeze %dma_start3A_33 : memref<1x1x56x128xi32, #tpu.memory_space<hbm>> -> memref<56x128xi32, #tpu.memory_space<hbm>>
        tpu.enqueue_dma source(%dma_start3A_34 : memref<56x128xi32, #tpu.memory_space<hbm>>) target(%dma_start3A_30 : memref<56x128xi32, #tpu.memory_space<vmem>>) target_semaphore(%run_scoped3A_21 : memref<!tpu.dma_semaphore, #tpu.memory_space<semaphore_mem>>)
        %dma_wait3A = arith.constant 0 : i32
        %dma_wait3A_35 = arith.constant 0 : i32
        %dma_wait3A_36 = tpu.memref_slice %arg8[%dma_wait3A, %dma_wait3A_35] : memref<101x128xi32, #tpu.memory_space<vmem>> -> memref<56x128xi32, #tpu.memory_space<vmem>>
        %dma_wait3A_37 = arith.constant 0 : i32
        %dma_wait3A_38 = arith.constant 0 : i32
        %dma_wait3A_39 = tpu.memref_slice %arg3[%run_scoped3A_20, %arg1, %dma_wait3A_37, %dma_wait3A_38] : memref<2x16x56x128xi32, #tpu.memory_space<hbm>> -> memref<1x1x56x128xi32, #tpu.memory_space<hbm>>
        %dma_wait3A_40 = tpu.memref_squeeze %dma_wait3A_39 : memref<1x1x56x128xi32, #tpu.memory_space<hbm>> -> memref<56x128xi32, #tpu.memory_space<hbm>>
        %dma_wait3A_41 = arith.constant 0 : i32
        %dma_wait3A_42 = arith.constant 0 : i32
        %dma_wait3A_43 = tpu.memref_slice %arg8[%dma_wait3A_41, %dma_wait3A_42] : memref<101x128xi32, #tpu.memory_space<vmem>> -> memref<56x128xi32, #tpu.memory_space<vmem>>
        %dma_wait3A_44 = arith.constant 0 : i32
        %dma_wait3A_45 = arith.constant 0 : i32
        %dma_wait3A_46 = tpu.memref_slice %arg3[%run_scoped3A_20, %arg1, %dma_wait3A_44, %dma_wait3A_45] : memref<2x16x56x128xi32, #tpu.memory_space<hbm>> -> memref<1x1x56x128xi32, #tpu.memory_space<hbm>>
        %dma_wait3A_47 = tpu.memref_squeeze %dma_wait3A_46 : memref<1x1x56x128xi32, #tpu.memory_space<hbm>> -> memref<56x128xi32, #tpu.memory_space<hbm>>
        tpu.wait_dma2 semaphore(%run_scoped3A_21 : memref<!tpu.dma_semaphore, #tpu.memory_space<semaphore_mem>>) src(%dma_wait3A_47 : memref<56x128xi32, #tpu.memory_space<hbm>>) dst(%dma_wait3A_43 : memref<56x128xi32, #tpu.memory_space<vmem>>)
        tpu.yield
      }) : () -> ()
    } else {
    }
    %ne3A = arith.constant 0 : i32
    %ne3A_3 = arith.cmpi ne, %arg0, %ne3A : i32
    %convert_element_type3A_4 = arith.extui %ne3A_3 : i1 to i32
    %cond3A_5 = arith.constant 0 : i32
    %cond3A_6 = arith.cmpi ne, %convert_element_type3A_4, %cond3A_5 : i32
    scf.if %cond3A_6 {
      "tpu.region"() ({
        %run_scoped3A_21 = tpu.sem_alloc : memref<!tpu.dma_semaphore, #tpu.memory_space<semaphore_mem>>
        %dma_start3A = arith.constant 0 : i32
        %dma_start3A_22 = tpu.memref_slice %arg10[%mul3A_0, %dma_start3A] : memref<10112x128xf32, #tpu.memory_space<vmem_shared>> -> memref<632x128xf32, #tpu.memory_space<vmem_shared>>
        %dma_start3A_23 = arith.constant 0 : i32
        %dma_start3A_24 = tpu.memref_slice %arg5[%mul3A_0, %dma_start3A_23] : memref<10112x128xf32, #tpu.memory_space<hbm>> -> memref<632x128xf32, #tpu.memory_space<hbm>>
        tpu.enqueue_dma source(%dma_start3A_24 : memref<632x128xf32, #tpu.memory_space<hbm>>) target(%dma_start3A_22 : memref<632x128xf32, #tpu.memory_space<vmem_shared>>) target_semaphore(%run_scoped3A_21 : memref<!tpu.dma_semaphore, #tpu.memory_space<semaphore_mem>>)
        %dma_wait3A = arith.constant 0 : i32
        %dma_wait3A_25 = tpu.memref_slice %arg10[%mul3A_0, %dma_wait3A] : memref<10112x128xf32, #tpu.memory_space<vmem_shared>> -> memref<632x128xf32, #tpu.memory_space<vmem_shared>>
        %dma_wait3A_26 = arith.constant 0 : i32
        %dma_wait3A_27 = tpu.memref_slice %arg5[%mul3A_0, %dma_wait3A_26] : memref<10112x128xf32, #tpu.memory_space<hbm>> -> memref<632x128xf32, #tpu.memory_space<hbm>>
        tpu.wait_dma2 semaphore(%run_scoped3A_21 : memref<!tpu.dma_semaphore, #tpu.memory_space<semaphore_mem>>) src(%dma_wait3A_27 : memref<632x128xf32, #tpu.memory_space<hbm>>) dst(%dma_wait3A_25 : memref<632x128xf32, #tpu.memory_space<vmem_shared>>)
        tpu.yield
      }) : () -> ()
      %run_scoped3A = arith.constant 0 : i32
      "tpu.region"() ({
        %run_scoped3A_21 = tpu.sem_alloc : memref<!tpu.dma_semaphore, #tpu.memory_space<semaphore_mem>>
        %dma_start3A = arith.constant 0 : i32
        %dma_start3A_22 = arith.constant 0 : i32
        %dma_start3A_23 = tpu.memref_slice %arg7[%dma_start3A, %dma_start3A_22] : memref<101x128xi32, #tpu.memory_space<vmem>> -> memref<101x128xi32, #tpu.memory_space<vmem>>
        %dma_start3A_24 = arith.constant 0 : i32
        %dma_start3A_25 = arith.constant 0 : i32
        %dma_start3A_26 = tpu.memref_slice %arg4[%run_scoped3A, %arg1, %dma_start3A_24, %dma_start3A_25] : memref<2x16x101x128xi32, #tpu.memory_space<hbm>> -> memref<1x1x101x128xi32, #tpu.memory_space<hbm>>
        %dma_start3A_27 = tpu.memref_squeeze %dma_start3A_26 : memref<1x1x101x128xi32, #tpu.memory_space<hbm>> -> memref<101x128xi32, #tpu.memory_space<hbm>>
        %dma_start3A_28 = arith.constant 0 : i32
        %dma_start3A_29 = arith.constant 0 : i32
        %dma_start3A_30 = tpu.memref_slice %arg7[%dma_start3A_28, %dma_start3A_29] : memref<101x128xi32, #tpu.memory_space<vmem>> -> memref<101x128xi32, #tpu.memory_space<vmem>>
        %dma_start3A_31 = arith.constant 0 : i32
        %dma_start3A_32 = arith.constant 0 : i32
        %dma_start3A_33 = tpu.memref_slice %arg4[%run_scoped3A, %arg1, %dma_start3A_31, %dma_start3A_32] : memref<2x16x101x128xi32, #tpu.memory_space<hbm>> -> memref<1x1x101x128xi32, #tpu.memory_space<hbm>>
        %dma_start3A_34 = tpu.memref_squeeze %dma_start3A_33 : memref<1x1x101x128xi32, #tpu.memory_space<hbm>> -> memref<101x128xi32, #tpu.memory_space<hbm>>
        tpu.enqueue_dma source(%dma_start3A_34 : memref<101x128xi32, #tpu.memory_space<hbm>>) target(%dma_start3A_30 : memref<101x128xi32, #tpu.memory_space<vmem>>) target_semaphore(%run_scoped3A_21 : memref<!tpu.dma_semaphore, #tpu.memory_space<semaphore_mem>>)
        %dma_wait3A = arith.constant 0 : i32
        %dma_wait3A_35 = arith.constant 0 : i32
        %dma_wait3A_36 = tpu.memref_slice %arg7[%dma_wait3A, %dma_wait3A_35] : memref<101x128xi32, #tpu.memory_space<vmem>> -> memref<101x128xi32, #tpu.memory_space<vmem>>
        %dma_wait3A_37 = arith.constant 0 : i32
        %dma_wait3A_38 = arith.constant 0 : i32
        %dma_wait3A_39 = tpu.memref_slice %arg4[%run_scoped3A, %arg1, %dma_wait3A_37, %dma_wait3A_38] : memref<2x16x101x128xi32, #tpu.memory_space<hbm>> -> memref<1x1x101x128xi32, #tpu.memory_space<hbm>>
        %dma_wait3A_40 = tpu.memref_squeeze %dma_wait3A_39 : memref<1x1x101x128xi32, #tpu.memory_space<hbm>> -> memref<101x128xi32, #tpu.memory_space<hbm>>
        %dma_wait3A_41 = arith.constant 0 : i32
        %dma_wait3A_42 = arith.constant 0 : i32
        %dma_wait3A_43 = tpu.memref_slice %arg7[%dma_wait3A_41, %dma_wait3A_42] : memref<101x128xi32, #tpu.memory_space<vmem>> -> memref<101x128xi32, #tpu.memory_space<vmem>>
        %dma_wait3A_44 = arith.constant 0 : i32
        %dma_wait3A_45 = arith.constant 0 : i32
        %dma_wait3A_46 = tpu.memref_slice %arg4[%run_scoped3A, %arg1, %dma_wait3A_44, %dma_wait3A_45] : memref<2x16x101x128xi32, #tpu.memory_space<hbm>> -> memref<1x1x101x128xi32, #tpu.memory_space<hbm>>
        %dma_wait3A_47 = tpu.memref_squeeze %dma_wait3A_46 : memref<1x1x101x128xi32, #tpu.memory_space<hbm>> -> memref<101x128xi32, #tpu.memory_space<hbm>>
        tpu.wait_dma2 semaphore(%run_scoped3A_21 : memref<!tpu.dma_semaphore, #tpu.memory_space<semaphore_mem>>) src(%dma_wait3A_47 : memref<101x128xi32, #tpu.memory_space<hbm>>) dst(%dma_wait3A_43 : memref<101x128xi32, #tpu.memory_space<vmem>>)
        tpu.yield
      }) : () -> ()
      %run_scoped3A_20 = arith.constant 1 : i32
      "tpu.region"() ({
        %run_scoped3A_21 = tpu.sem_alloc : memref<!tpu.dma_semaphore, #tpu.memory_space<semaphore_mem>>
        %dma_start3A = arith.constant 0 : i32
        %dma_start3A_22 = arith.constant 0 : i32
        %dma_start3A_23 = tpu.memref_slice %arg8[%dma_start3A, %dma_start3A_22] : memref<101x128xi32, #tpu.memory_space<vmem>> -> memref<101x128xi32, #tpu.memory_space<vmem>>
        %dma_start3A_24 = arith.constant 0 : i32
        %dma_start3A_25 = arith.constant 0 : i32
        %dma_start3A_26 = tpu.memref_slice %arg4[%run_scoped3A_20, %arg1, %dma_start3A_24, %dma_start3A_25] : memref<2x16x101x128xi32, #tpu.memory_space<hbm>> -> memref<1x1x101x128xi32, #tpu.memory_space<hbm>>
        %dma_start3A_27 = tpu.memref_squeeze %dma_start3A_26 : memref<1x1x101x128xi32, #tpu.memory_space<hbm>> -> memref<101x128xi32, #tpu.memory_space<hbm>>
        %dma_start3A_28 = arith.constant 0 : i32
        %dma_start3A_29 = arith.constant 0 : i32
        %dma_start3A_30 = tpu.memref_slice %arg8[%dma_start3A_28, %dma_start3A_29] : memref<101x128xi32, #tpu.memory_space<vmem>> -> memref<101x128xi32, #tpu.memory_space<vmem>>
        %dma_start3A_31 = arith.constant 0 : i32
        %dma_start3A_32 = arith.constant 0 : i32
        %dma_start3A_33 = tpu.memref_slice %arg4[%run_scoped3A_20, %arg1, %dma_start3A_31, %dma_start3A_32] : memref<2x16x101x128xi32, #tpu.memory_space<hbm>> -> memref<1x1x101x128xi32, #tpu.memory_space<hbm>>
        %dma_start3A_34 = tpu.memref_squeeze %dma_start3A_33 : memref<1x1x101x128xi32, #tpu.memory_space<hbm>> -> memref<101x128xi32, #tpu.memory_space<hbm>>
        tpu.enqueue_dma source(%dma_start3A_34 : memref<101x128xi32, #tpu.memory_space<hbm>>) target(%dma_start3A_30 : memref<101x128xi32, #tpu.memory_space<vmem>>) target_semaphore(%run_scoped3A_21 : memref<!tpu.dma_semaphore, #tpu.memory_space<semaphore_mem>>)
        %dma_wait3A = arith.constant 0 : i32
        %dma_wait3A_35 = arith.constant 0 : i32
        %dma_wait3A_36 = tpu.memref_slice %arg8[%dma_wait3A, %dma_wait3A_35] : memref<101x128xi32, #tpu.memory_space<vmem>> -> memref<101x128xi32, #tpu.memory_space<vmem>>
        %dma_wait3A_37 = arith.constant 0 : i32
        %dma_wait3A_38 = arith.constant 0 : i32
        %dma_wait3A_39 = tpu.memref_slice %arg4[%run_scoped3A_20, %arg1, %dma_wait3A_37, %dma_wait3A_38] : memref<2x16x101x128xi32, #tpu.memory_space<hbm>> -> memref<1x1x101x128xi32, #tpu.memory_space<hbm>>
        %dma_wait3A_40 = tpu.memref_squeeze %dma_wait3A_39 : memref<1x1x101x128xi32, #tpu.memory_space<hbm>> -> memref<101x128xi32, #tpu.memory_space<hbm>>
        %dma_wait3A_41 = arith.constant 0 : i32
        %dma_wait3A_42 = arith.constant 0 : i32
        %dma_wait3A_43 = tpu.memref_slice %arg8[%dma_wait3A_41, %dma_wait3A_42] : memref<101x128xi32, #tpu.memory_space<vmem>> -> memref<101x128xi32, #tpu.memory_space<vmem>>
        %dma_wait3A_44 = arith.constant 0 : i32
        %dma_wait3A_45 = arith.constant 0 : i32
        %dma_wait3A_46 = tpu.memref_slice %arg4[%run_scoped3A_20, %arg1, %dma_wait3A_44, %dma_wait3A_45] : memref<2x16x101x128xi32, #tpu.memory_space<hbm>> -> memref<1x1x101x128xi32, #tpu.memory_space<hbm>>
        %dma_wait3A_47 = tpu.memref_squeeze %dma_wait3A_46 : memref<1x1x101x128xi32, #tpu.memory_space<hbm>> -> memref<101x128xi32, #tpu.memory_space<hbm>>
        tpu.wait_dma2 semaphore(%run_scoped3A_21 : memref<!tpu.dma_semaphore, #tpu.memory_space<semaphore_mem>>) src(%dma_wait3A_47 : memref<101x128xi32, #tpu.memory_space<hbm>>) dst(%dma_wait3A_43 : memref<101x128xi32, #tpu.memory_space<vmem>>)
        tpu.yield
      }) : () -> ()
    } else {
    }
    %barrier3A = arith.constant 0 : index
    tpu.barrier barrier_id(%barrier3A)
    %eq3A_7 = arith.constant 0 : i32
    %eq3A_8 = arith.cmpi eq, %arg0, %eq3A_7 : i32
    %jit3A = arith.constant 56 : i32
    %jit3A_9 = arith.constant 101 : i32
    %select_n3A = arith.select %eq3A_8, %jit3A, %jit3A_9 : i32
    %while3A = arith.constant 0 : i32
    %while3A_10 = arith.constant 0 : i32
    %while3A_11 = arith.subi %select_n3A, %while3A_10 : i32
    %while3A_12 = arith.addi %while3A_10, %while3A_11 : i32
    %while3A_13 = arith.constant 1 : i32
    %while3A_14 = arith.divsi %while3A_11, %while3A_13 : i32
    %while3A_15 = arith.muli %while3A_14, %while3A_13 : i32
    %while3A_16 = arith.addi %while3A_10, %while3A_15 : i32
    %while3A_17 = arith.constant 1 : i32
    scf.for %while3A_20 = %while3A_10 to %while3A_16 step %while3A_17  : i32 {
      %dma_start3A = arith.constant 0 : i32
      %dma_start3A_21 = tpu.memref_slice %arg7[%while3A_20, %dma_start3A] : memref<101x128xi32, #tpu.memory_space<vmem>> -> memref<1x128xi32, #tpu.memory_space<vmem>>
      %dma_start3A_22 = tpu.memref_squeeze %dma_start3A_21 : memref<1x128xi32, #tpu.memory_space<vmem>> -> memref<128xi32, #tpu.memory_space<vmem>>
      %dma_start3A_23 = arith.constant 0 : i32
      %dma_start3A_24 = arith.constant 0 : i32
      %dma_start3A_25 = tpu.memref_slice %arg2[%dma_start3A_23, %dma_start3A_24] : memref<10112x128xf32, #tpu.memory_space<hbm>> -> memref<10112x128xf32, #tpu.memory_space<hbm>>
      tpu.enqueue_indirect_dma source(%dma_start3A_25 : memref<10112x128xf32, #tpu.memory_space<hbm>>) target(%arg9 : memref<128x128xf32, #tpu.memory_space<vmem>>) offsets(%dma_start3A_22 : memref<128xi32, #tpu.memory_space<vmem>>) semaphore(%arg11 : memref<!tpu.dma_semaphore, #tpu.memory_space<semaphore_mem>>)
      %dma_wait3A = arith.constant 0 : i32
      %dma_wait3A_26 = tpu.memref_slice %arg7[%while3A_20, %dma_wait3A] : memref<101x128xi32, #tpu.memory_space<vmem>> -> memref<1x128xi32, #tpu.memory_space<vmem>>
      %dma_wait3A_27 = tpu.memref_squeeze %dma_wait3A_26 : memref<1x128xi32, #tpu.memory_space<vmem>> -> memref<128xi32, #tpu.memory_space<vmem>>
      %dma_wait3A_28 = arith.constant 0 : i32
      %dma_wait3A_29 = arith.constant 0 : i32
      %dma_wait3A_30 = tpu.memref_slice %arg2[%dma_wait3A_28, %dma_wait3A_29] : memref<10112x128xf32, #tpu.memory_space<hbm>> -> memref<10112x128xf32, #tpu.memory_space<hbm>>
      tpu.wait_indirect_dma semaphore(%arg11 : memref<!tpu.dma_semaphore, #tpu.memory_space<semaphore_mem>>) src(%dma_wait3A_30 : memref<10112x128xf32, #tpu.memory_space<hbm>>) dst(%arg9 : memref<128x128xf32, #tpu.memory_space<vmem>>)
      "tpu.region"() ({
        %run_scoped3A = tpu.sem_alloc : memref<!tpu.dma_semaphore, #tpu.memory_space<semaphore_mem>>
        %dma_start3A_31 = arith.constant 0 : i32
        %dma_start3A_32 = tpu.memref_slice %arg8[%while3A_20, %dma_start3A_31] : memref<101x128xi32, #tpu.memory_space<vmem>> -> memref<1x128xi32, #tpu.memory_space<vmem>>
        %dma_start3A_33 = tpu.memref_squeeze %dma_start3A_32 : memref<1x128xi32, #tpu.memory_space<vmem>> -> memref<128xi32, #tpu.memory_space<vmem>>
        %dma_start3A_34 = arith.constant 0 : i32
        %dma_start3A_35 = arith.constant 0 : i32
        %dma_start3A_36 = tpu.memref_slice %arg10[%dma_start3A_34, %dma_start3A_35] : memref<10112x128xf32, #tpu.memory_space<vmem_shared>> -> memref<10112x128xf32, #tpu.memory_space<vmem_shared>>
        tpu.enqueue_indirect_dma source(%arg9 : memref<128x128xf32, #tpu.memory_space<vmem>>) target(%dma_start3A_36 : memref<10112x128xf32, #tpu.memory_space<vmem_shared>>) offsets(%dma_start3A_33 : memref<128xi32, #tpu.memory_space<vmem>>) semaphore(%run_scoped3A : memref<!tpu.dma_semaphore, #tpu.memory_space<semaphore_mem>>) {add = true}
        %dma_wait3A_37 = arith.constant 0 : i32
        %dma_wait3A_38 = tpu.memref_slice %arg8[%while3A_20, %dma_wait3A_37] : memref<101x128xi32, #tpu.memory_space<vmem>> -> memref<1x128xi32, #tpu.memory_space<vmem>>
        %dma_wait3A_39 = tpu.memref_squeeze %dma_wait3A_38 : memref<1x128xi32, #tpu.memory_space<vmem>> -> memref<128xi32, #tpu.memory_space<vmem>>
        %dma_wait3A_40 = arith.constant 0 : i32
        %dma_wait3A_41 = arith.constant 0 : i32
        %dma_wait3A_42 = tpu.memref_slice %arg10[%dma_wait3A_40, %dma_wait3A_41] : memref<10112x128xf32, #tpu.memory_space<vmem_shared>> -> memref<10112x128xf32, #tpu.memory_space<vmem_shared>>
        tpu.wait_indirect_dma semaphore(%run_scoped3A : memref<!tpu.dma_semaphore, #tpu.memory_space<semaphore_mem>>) src(%arg9 : memref<128x128xf32, #tpu.memory_space<vmem>>) dst(%dma_wait3A_42 : memref<10112x128xf32, #tpu.memory_space<vmem_shared>>)
        tpu.yield
      }) : () -> ()
    }
    %while3A_18 = arith.constant 1 : i32
    scf.for %while3A_20 = %while3A_16 to %while3A_12 step %while3A_18  : i32 {
      %dma_start3A = arith.constant 0 : i32
      %dma_start3A_21 = tpu.memref_slice %arg7[%while3A_20, %dma_start3A] : memref<101x128xi32, #tpu.memory_space<vmem>> -> memref<1x128xi32, #tpu.memory_space<vmem>>
      %dma_start3A_22 = tpu.memref_squeeze %dma_start3A_21 : memref<1x128xi32, #tpu.memory_space<vmem>> -> memref<128xi32, #tpu.memory_space<vmem>>
      %dma_start3A_23 = arith.constant 0 : i32
      %dma_start3A_24 = arith.constant 0 : i32
      %dma_start3A_25 = tpu.memref_slice %arg2[%dma_start3A_23, %dma_start3A_24] : memref<10112x128xf32, #tpu.memory_space<hbm>> -> memref<10112x128xf32, #tpu.memory_space<hbm>>
      tpu.enqueue_indirect_dma source(%dma_start3A_25 : memref<10112x128xf32, #tpu.memory_space<hbm>>) target(%arg9 : memref<128x128xf32, #tpu.memory_space<vmem>>) offsets(%dma_start3A_22 : memref<128xi32, #tpu.memory_space<vmem>>) semaphore(%arg11 : memref<!tpu.dma_semaphore, #tpu.memory_space<semaphore_mem>>)
      %dma_wait3A = arith.constant 0 : i32
      %dma_wait3A_26 = tpu.memref_slice %arg7[%while3A_20, %dma_wait3A] : memref<101x128xi32, #tpu.memory_space<vmem>> -> memref<1x128xi32, #tpu.memory_space<vmem>>
      %dma_wait3A_27 = tpu.memref_squeeze %dma_wait3A_26 : memref<1x128xi32, #tpu.memory_space<vmem>> -> memref<128xi32, #tpu.memory_space<vmem>>
      %dma_wait3A_28 = arith.constant 0 : i32
      %dma_wait3A_29 = arith.constant 0 : i32
      %dma_wait3A_30 = tpu.memref_slice %arg2[%dma_wait3A_28, %dma_wait3A_29] : memref<10112x128xf32, #tpu.memory_space<hbm>> -> memref<10112x128xf32, #tpu.memory_space<hbm>>
      tpu.wait_indirect_dma semaphore(%arg11 : memref<!tpu.dma_semaphore, #tpu.memory_space<semaphore_mem>>) src(%dma_wait3A_30 : memref<10112x128xf32, #tpu.memory_space<hbm>>) dst(%arg9 : memref<128x128xf32, #tpu.memory_space<vmem>>)
      "tpu.region"() ({
        %run_scoped3A = tpu.sem_alloc : memref<!tpu.dma_semaphore, #tpu.memory_space<semaphore_mem>>
        %dma_start3A_31 = arith.constant 0 : i32
        %dma_start3A_32 = tpu.memref_slice %arg8[%while3A_20, %dma_start3A_31] : memref<101x128xi32, #tpu.memory_space<vmem>> -> memref<1x128xi32, #tpu.memory_space<vmem>>
        %dma_start3A_33 = tpu.memref_squeeze %dma_start3A_32 : memref<1x128xi32, #tpu.memory_space<vmem>> -> memref<128xi32, #tpu.memory_space<vmem>>
        %dma_start3A_34 = arith.constant 0 : i32
        %dma_start3A_35 = arith.constant 0 : i32
        %dma_start3A_36 = tpu.memref_slice %arg10[%dma_start3A_34, %dma_start3A_35] : memref<10112x128xf32, #tpu.memory_space<vmem_shared>> -> memref<10112x128xf32, #tpu.memory_space<vmem_shared>>
        tpu.enqueue_indirect_dma source(%arg9 : memref<128x128xf32, #tpu.memory_space<vmem>>) target(%dma_start3A_36 : memref<10112x128xf32, #tpu.memory_space<vmem_shared>>) offsets(%dma_start3A_33 : memref<128xi32, #tpu.memory_space<vmem>>) semaphore(%run_scoped3A : memref<!tpu.dma_semaphore, #tpu.memory_space<semaphore_mem>>) {add = true}
        %dma_wait3A_37 = arith.constant 0 : i32
        %dma_wait3A_38 = tpu.memref_slice %arg8[%while3A_20, %dma_wait3A_37] : memref<101x128xi32, #tpu.memory_space<vmem>> -> memref<1x128xi32, #tpu.memory_space<vmem>>
        %dma_wait3A_39 = tpu.memref_squeeze %dma_wait3A_38 : memref<1x128xi32, #tpu.memory_space<vmem>> -> memref<128xi32, #tpu.memory_space<vmem>>
        %dma_wait3A_40 = arith.constant 0 : i32
        %dma_wait3A_41 = arith.constant 0 : i32
        %dma_wait3A_42 = tpu.memref_slice %arg10[%dma_wait3A_40, %dma_wait3A_41] : memref<10112x128xf32, #tpu.memory_space<vmem_shared>> -> memref<10112x128xf32, #tpu.memory_space<vmem_shared>>
        tpu.wait_indirect_dma semaphore(%run_scoped3A : memref<!tpu.dma_semaphore, #tpu.memory_space<semaphore_mem>>) src(%arg9 : memref<128x128xf32, #tpu.memory_space<vmem>>) dst(%dma_wait3A_42 : memref<10112x128xf32, #tpu.memory_space<vmem_shared>>)
        tpu.yield
      }) : () -> ()
    }
    %barrier3A_19 = arith.constant 0 : index
    tpu.barrier barrier_id(%barrier3A_19)
    "tpu.region"() ({
      %run_scoped3A = tpu.sem_alloc : memref<!tpu.dma_semaphore, #tpu.memory_space<semaphore_mem>>
      %dma_start3A = arith.constant 0 : i32
      %dma_start3A_20 = tpu.memref_slice %arg6[%arg0, %mul3A_0, %dma_start3A] : memref<2x10112x128xf32, #tpu.memory_space<hbm>> -> memref<1x632x128xf32, #tpu.memory_space<hbm>>
      %dma_start3A_21 = tpu.memref_squeeze %dma_start3A_20 : memref<1x632x128xf32, #tpu.memory_space<hbm>> -> memref<632x128xf32, #tpu.memory_space<hbm>>
      %dma_start3A_22 = arith.constant 0 : i32
      %dma_start3A_23 = tpu.memref_slice %arg10[%mul3A_0, %dma_start3A_22] : memref<10112x128xf32, #tpu.memory_space<vmem_shared>> -> memref<632x128xf32, #tpu.memory_space<vmem_shared>>
      tpu.enqueue_dma source(%dma_start3A_23 : memref<632x128xf32, #tpu.memory_space<vmem_shared>>) target(%dma_start3A_21 : memref<632x128xf32, #tpu.memory_space<hbm>>) target_semaphore(%run_scoped3A : memref<!tpu.dma_semaphore, #tpu.memory_space<semaphore_mem>>)
      %dma_wait3A = arith.constant 0 : i32
      %dma_wait3A_24 = tpu.memref_slice %arg6[%arg0, %mul3A_0, %dma_wait3A] : memref<2x10112x128xf32, #tpu.memory_space<hbm>> -> memref<1x632x128xf32, #tpu.memory_space<hbm>>
      %dma_wait3A_25 = tpu.memref_squeeze %dma_wait3A_24 : memref<1x632x128xf32, #tpu.memory_space<hbm>> -> memref<632x128xf32, #tpu.memory_space<hbm>>
      %dma_wait3A_26 = arith.constant 0 : i32
      %dma_wait3A_27 = tpu.memref_slice %arg10[%mul3A_0, %dma_wait3A_26] : memref<10112x128xf32, #tpu.memory_space<vmem_shared>> -> memref<632x128xf32, #tpu.memory_space<vmem_shared>>
      tpu.wait_dma2 semaphore(%run_scoped3A : memref<!tpu.dma_semaphore, #tpu.memory_space<semaphore_mem>>) src(%dma_wait3A_27 : memref<632x128xf32, #tpu.memory_space<vmem_shared>>) dst(%dma_wait3A_25 : memref<632x128xf32, #tpu.memory_space<hbm>>)
      tpu.yield
    }) : () -> ()
    return
  }
}

module attributes {stable_mosaic.version = 14 : i64} {
  func.func @_scale_body(%arg0: memref<10112x128xf32, #tpu.memory_space<vmem>>, %arg1: memref<2x10112x16xf32, #tpu.memory_space<vmem>>, %arg2: memref<10112x128xf32, #tpu.memory_space<vmem>>) attributes {dimension_semantics = [], scalar_prefetch = 0 : i64, scratch_operands = 0 : i64, tpu.core_type = #tpu.core_type<tc>} {
    %get3A = arith.constant 0 : index
    %get3A_0 = arith.constant 0 : index
    %get3A_1 = arith.constant 0 : index
    %get3A_2 = vector.load %arg1[%get3A, %get3A_0, %get3A_1] : memref<2x10112x16xf32, #tpu.memory_space<vmem>>, vector<2x10112x16xf32>
    %slice3A = vector.extract_strided_slice %get3A_2 {offsets = [0, 0, 0], sizes = [1, 10112, 1], strides = [1, 1, 1]} : vector<2x10112x16xf32> to vector<1x10112x1xf32>
    %squeeze3A = vector.shape_cast %slice3A : vector<1x10112x1xf32> to vector<10112x1xf32>
    %add3A = arith.constant 1.000000e+00 : f32
    %add3A_3 = vector.broadcast %add3A : f32 to vector<10112x1xf32>
    %add3A_4 = arith.addf %squeeze3A, %add3A_3 : vector<10112x1xf32>
    %rsqrt3A = math.rsqrt %add3A_4 : vector<10112x1xf32>
    %get3A_5 = arith.constant 0 : index
    %get3A_6 = arith.constant 0 : index
    %get3A_7 = vector.load %arg0[%get3A_5, %get3A_6] : memref<10112x128xf32, #tpu.memory_space<vmem>>, vector<10112x128xf32>
    %mul3A = vector.broadcast %rsqrt3A : vector<10112x1xf32> to vector<10112x128xf32>
    %mul3A_8 = arith.mulf %get3A_7, %mul3A : vector<10112x128xf32>
    %swap3A = arith.constant 0 : index
    %swap3A_9 = arith.constant 0 : index
    %swap3A_10 = vector.load %arg2[%swap3A, %swap3A_9] : memref<10112x128xf32, #tpu.memory_space<vmem>>, vector<10112x128xf32>
    tpu.vector_store %arg2[%swap3A, %swap3A_9], %mul3A_8 {strides = array<i32>} : memref<10112x128xf32, #tpu.memory_space<vmem>>, vector<10112x128xf32>,
    return
  }
}

module attributes {stable_mosaic.version = 14 : i64} {
  func.func @_layer1_body(%arg0: memref<2x10112x128xf32, #tpu.memory_space<vmem>>, %arg1: memref<2x10112x16xf32, #tpu.memory_space<vmem>>, %arg2: memref<128x128xf32, #tpu.memory_space<vmem>>, %arg3: memref<1x128xf32, #tpu.memory_space<vmem>>, %arg4: memref<10112x128xf32, #tpu.memory_space<vmem>>) attributes {dimension_semantics = [], scalar_prefetch = 0 : i64, scratch_operands = 0 : i64, tpu.core_type = #tpu.core_type<tc>} {
    %get3A = arith.constant 0 : index
    %get3A_0 = arith.constant 0 : index
    %get3A_1 = arith.constant 0 : index
    %get3A_2 = vector.load %arg1[%get3A, %get3A_0, %get3A_1] : memref<2x10112x16xf32, #tpu.memory_space<vmem>>, vector<2x10112x16xf32>
    %slice3A = vector.extract_strided_slice %get3A_2 {offsets = [1, 0, 0], sizes = [1, 10112, 1], strides = [1, 1, 1]} : vector<2x10112x16xf32> to vector<1x10112x1xf32>
    %squeeze3A = vector.shape_cast %slice3A : vector<1x10112x1xf32> to vector<10112x1xf32>
    %add3A = arith.constant 1.000000e+00 : f32
    %add3A_3 = vector.broadcast %add3A : f32 to vector<10112x1xf32>
    %add3A_4 = arith.addf %squeeze3A, %add3A_3 : vector<10112x1xf32>
    %rsqrt3A = math.rsqrt %add3A_4 : vector<10112x1xf32>
    %slice3A_5 = vector.extract_strided_slice %get3A_2 {offsets = [0, 0, 0], sizes = [1, 10112, 1], strides = [1, 1, 1]} : vector<2x10112x16xf32> to vector<1x10112x1xf32>
    %squeeze3A_6 = vector.shape_cast %slice3A_5 : vector<1x10112x1xf32> to vector<10112x1xf32>
    %add3A_7 = arith.constant 1.000000e+00 : f32
    %add3A_8 = vector.broadcast %add3A_7 : f32 to vector<10112x1xf32>
    %add3A_9 = arith.addf %squeeze3A_6, %add3A_8 : vector<10112x1xf32>
    %rsqrt3A_10 = math.rsqrt %add3A_9 : vector<10112x1xf32>
    %get3A_11 = arith.constant 0 : index
    %get3A_12 = arith.constant 0 : index
    %get3A_13 = arith.constant 0 : index
    %get3A_14 = vector.load %arg0[%get3A_11, %get3A_12, %get3A_13] : memref<2x10112x128xf32, #tpu.memory_space<vmem>>, vector<1x10112x128xf32>
    %get3A_15 = vector.shape_cast %get3A_14 : vector<1x10112x128xf32> to vector<10112x128xf32>
    %get3A_16 = arith.constant 1 : index
    %get3A_17 = arith.constant 0 : index
    %get3A_18 = arith.constant 0 : index
    %get3A_19 = vector.load %arg0[%get3A_16, %get3A_17, %get3A_18] : memref<2x10112x128xf32, #tpu.memory_space<vmem>>, vector<1x10112x128xf32>
    %get3A_20 = vector.shape_cast %get3A_19 : vector<1x10112x128xf32> to vector<10112x128xf32>
    %add3A_21 = arith.addf %get3A_15, %get3A_20 : vector<10112x128xf32>
    %mul3A = vector.broadcast %rsqrt3A : vector<10112x1xf32> to vector<10112x128xf32>
    %mul3A_22 = arith.mulf %add3A_21, %mul3A : vector<10112x128xf32>
    %get3A_23 = arith.constant 0 : index
    %get3A_24 = arith.constant 0 : index
    %get3A_25 = vector.load %arg2[%get3A_23, %get3A_24] : memref<128x128xf32, #tpu.memory_space<vmem>>, vector<128x128xf32>
    %dot_general3A = arith.constant dense<0.000000e+00> : vector<10112x128xf32>
    %dot_general3A_26 = tpu.matmul %mul3A_22, %get3A_25, %dot_general3A {dimension_numbers = #tpu.dot_dimension_numbers<[1], [0], [0], [1], [0, 0, 1, 1], [], []>, transpose_lhs_hint = false} : vector<10112x128xf32>, vector<128x128xf32>, vector<10112x128xf32> -> vector<10112x128xf32>
    %get3A_27 = arith.constant 0 : index
    %get3A_28 = arith.constant 0 : index
    %get3A_29 = vector.load %arg3[%get3A_27, %get3A_28] : memref<1x128xf32, #tpu.memory_space<vmem>>, vector<1x128xf32>
    %add3A_30 = vector.broadcast %get3A_29 : vector<1x128xf32> to vector<10112x128xf32>
    %add3A_31 = arith.addf %dot_general3A_26, %add3A_30 : vector<10112x128xf32>
    %max3A = arith.constant 0.000000e+00 : f32
    %max3A_32 = vector.broadcast %max3A : f32 to vector<10112x128xf32>
    %max3A_33 = arith.maximumf %add3A_31, %max3A_32 : vector<10112x128xf32>
    %mul3A_34 = vector.broadcast %rsqrt3A_10 : vector<10112x1xf32> to vector<10112x128xf32>
    %mul3A_35 = arith.mulf %max3A_33, %mul3A_34 : vector<10112x128xf32>
    %swap3A = arith.constant 0 : index
    %swap3A_36 = arith.constant 0 : index
    %swap3A_37 = vector.load %arg4[%swap3A, %swap3A_36] : memref<10112x128xf32, #tpu.memory_space<vmem>>, vector<10112x128xf32>
    tpu.vector_store %arg4[%swap3A, %swap3A_36], %mul3A_35 {strides = array<i32>} : memref<10112x128xf32, #tpu.memory_space<vmem>>, vector<10112x128xf32>,
    return
  }
}

module attributes {stable_mosaic.version = 14 : i64} {
  func.func @_layer2_body(%arg0: memref<2x10112x128xf32, #tpu.memory_space<vmem>>, %arg1: memref<2x10112x16xf32, #tpu.memory_space<vmem>>, %arg2: memref<128x128xf32, #tpu.memory_space<vmem>>, %arg3: memref<1x128xf32, #tpu.memory_space<vmem>>, %arg4: memref<10112x128xf32, #tpu.memory_space<vmem>>) attributes {dimension_semantics = [], scalar_prefetch = 0 : i64, scratch_operands = 0 : i64, tpu.core_type = #tpu.core_type<tc>} {
    %get3A = arith.constant 0 : index
    %get3A_0 = arith.constant 0 : index
    %get3A_1 = arith.constant 0 : index
    %get3A_2 = vector.load %arg1[%get3A, %get3A_0, %get3A_1] : memref<2x10112x16xf32, #tpu.memory_space<vmem>>, vector<2x10112x16xf32>
    %slice3A = vector.extract_strided_slice %get3A_2 {offsets = [1, 0, 0], sizes = [1, 10112, 1], strides = [1, 1, 1]} : vector<2x10112x16xf32> to vector<1x10112x1xf32>
    %squeeze3A = vector.shape_cast %slice3A : vector<1x10112x1xf32> to vector<10112x1xf32>
    %add3A = arith.constant 1.000000e+00 : f32
    %add3A_3 = vector.broadcast %add3A : f32 to vector<10112x1xf32>
    %add3A_4 = arith.addf %squeeze3A, %add3A_3 : vector<10112x1xf32>
    %rsqrt3A = math.rsqrt %add3A_4 : vector<10112x1xf32>
    %get3A_5 = arith.constant 0 : index
    %get3A_6 = arith.constant 0 : index
    %get3A_7 = arith.constant 0 : index
    %get3A_8 = vector.load %arg0[%get3A_5, %get3A_6, %get3A_7] : memref<2x10112x128xf32, #tpu.memory_space<vmem>>, vector<1x10112x128xf32>
    %get3A_9 = vector.shape_cast %get3A_8 : vector<1x10112x128xf32> to vector<10112x128xf32>
    %get3A_10 = arith.constant 1 : index
    %get3A_11 = arith.constant 0 : index
    %get3A_12 = arith.constant 0 : index
    %get3A_13 = vector.load %arg0[%get3A_10, %get3A_11, %get3A_12] : memref<2x10112x128xf32, #tpu.memory_space<vmem>>, vector<1x10112x128xf32>
    %get3A_14 = vector.shape_cast %get3A_13 : vector<1x10112x128xf32> to vector<10112x128xf32>
    %add3A_15 = arith.addf %get3A_9, %get3A_14 : vector<10112x128xf32>
    %mul3A = vector.broadcast %rsqrt3A : vector<10112x1xf32> to vector<10112x128xf32>
    %mul3A_16 = arith.mulf %add3A_15, %mul3A : vector<10112x128xf32>
    %get3A_17 = arith.constant 0 : index
    %get3A_18 = arith.constant 0 : index
    %get3A_19 = vector.load %arg2[%get3A_17, %get3A_18] : memref<128x128xf32, #tpu.memory_space<vmem>>, vector<128x128xf32>
    %dot_general3A = arith.constant dense<0.000000e+00> : vector<10112x128xf32>
    %dot_general3A_20 = tpu.matmul %mul3A_16, %get3A_19, %dot_general3A {dimension_numbers = #tpu.dot_dimension_numbers<[1], [0], [0], [1], [0, 0, 1, 1], [], []>, transpose_lhs_hint = false} : vector<10112x128xf32>, vector<128x128xf32>, vector<10112x128xf32> -> vector<10112x128xf32>
    %get3A_21 = arith.constant 0 : index
    %get3A_22 = arith.constant 0 : index
    %get3A_23 = vector.load %arg3[%get3A_21, %get3A_22] : memref<1x128xf32, #tpu.memory_space<vmem>>, vector<1x128xf32>
    %add3A_24 = vector.broadcast %get3A_23 : vector<1x128xf32> to vector<10112x128xf32>
    %add3A_25 = arith.addf %dot_general3A_20, %add3A_24 : vector<10112x128xf32>
    %swap3A = arith.constant 0 : index
    %swap3A_26 = arith.constant 0 : index
    %swap3A_27 = vector.load %arg4[%swap3A, %swap3A_26] : memref<10112x128xf32, #tpu.memory_space<vmem>>, vector<10112x128xf32>
    tpu.vector_store %arg4[%swap3A, %swap3A_26], %add3A_25 {strides = array<i32>} : memref<10112x128xf32, #tpu.memory_space<vmem>>, vector<10112x128xf32>,
    return
  }
}

</mosaic_0001>

<sc_bundles>
// kernel: kernel.11.cloned.1.call-start
scs
__scs_entry_jumppad:
0x0: {  	(pc) =	sbr.rel $0x88, $3  }
0x1: {  	(tag) =	ssettag $0x0;
	lr =	simm.s32 $0x1  }
0x2: {  	[smem:$0x3F9B] =	sst lr;
	_ =	strace $0xD0000000  }
0x3: {  	_ = 	snop  }
0x4: {  	_ = 	snop  }
0x5: {  	_ = 	snop  }
0x6: {  	_ = 	snop  }
0x7: {  	_ = 	snop  }
__scs_overlays_trampoline_lowered:
0x8: {  	[smem:$0x3FAA] =	sst s0  }
0x9: {  	[smem:$0x3FAB] =	sst s1  }
0xa: {  	[smem:$0x3FAC] =	sst s2  }
0xb: {  	[smem:$0x3FAD] =	sst s3  }
0xc: {  	[smem:$0x3FAE] =	sst s4  }
0xd: {  	[smem:$0x3FAF] =	sst s5  }
0xe: {  	[smem:$0x3FB0] =	sst s6  }
0xf: {  	[smem:$0x3FB1] =	sst s7  }
0x10: {  	[smem:$0x3FB2] =	sst s8  }
0x11: {  	[smem:$0x3FB3] =	sst s9;
	s0 =	simm.s32 @!p0 $0x0  }
0x12: {  	s1 =	sld [smem:$0x3F99];
	s0 =	simm.s32 @p0 $0x1  }
0x13: {  	[smem:$0x3FB4] =	sst s0;
	s0 =	simm.s32 @!p1 $0x0  }
0x14: {  	s2 =	sld [smem:$0x3F98];
	s0 =	simm.s32 @p1 $0x1  }
0x15: {  	[smem:$0x3FB5] =	sst s0;
	s0 =	simm.s32 @!p2 $0x0  }
0x16: {  	s3 =	sld [smem:$0x3FDB];
	s0 =	simm.s32 @p2 $0x1  }
0x17: {  	s4 =	simm.s32 $0x1BF5;
	[smem:$0x3FB7] =	sst s0  }
0x18: {  	s0 =	sld [smem:$0x3F9A];
	_ =	swait.ge [sflag:s4], $0x0  }
0x19: {  	s7 =	sld [smem:$0x3F9B]  }
0x1a: {  	s8 =	sadd.s32 $0xFFFFE003, lr  }
0x1b: {  	s9 =	sadd.s32 $0xFFFFFEF7, lr;
	s5 =	simm.s32 $0xFFFFFFFF;
	p2 =	slt.u32 s8, $0xFFFFF086  }
0x1c: {  	p1 =	slt.u32 s9, $0xF7A;
	s5 =	simm.s32 @!p2 $0x0  }
0x1d: {  	s5 =	simm.s32 @p1 $0x1;
	p0 =	seq.s32 s7, s2  }
0x1e: {  	s7 =	smul.u32 @!p0 $0xF7A, s2;
	p2 =	seq.s32 @!p0 s5, $0x0  }
0x1f: {  	s9 =	smul.u32 $0xF7A, s1;
	s8 =	simm.s32 @!p0 $0x1BF5;
	p2 =	por !p2, p0  }
0x20: {  	[sflag:s8] =	ssyncset.s32 @!p0 $0xFFFFF086;
	s6 =	sadd.s32 @!p0 s3, s7;
	s7 =	simm.s32 @!p0 $0x108  }
0x21: {  	s3 =	sadd.s32 s3, s9;
	s6 =	sadd.s32 @!p0 $0x88, s6;
	s7 =	simm.s32 @p2 $0x1082  }
0x22: {  	[simem:s7], [sflag:s8] =	dma.local @!p0 [hbm:s6], $0xF7A  }
0x23: {  	s9 =	sor.u32 $0xD0000000, s2;
	s6 =	simm.s32 $0x108;
	_ =	swait.ge @!p0 [sflag:s8], $0x0  }
0x24: {  	s3 =	sadd.s32 $0x88, s3;
	s6 =	simm.s32 @!p1 $0x1082;
	[sflag:s4] =	ssyncset.s32 $0xFFFFF086  }
0x25: {  	[simem:s6], [sflag:s4] =	dma.local [hbm:s3], $0xF7A  }
0x26: {  	[smem:$0x3F9B] =	sst s1;
	(tag) =	ssettag s2;
	_ =	strace s9  }
0x27: {  	s1 =	sld [smem:$0x3FAB]  }
0x28: {  	s2 =	sld [smem:$0x3FAC]  }
0x29: {  	s4 =	sld [smem:$0x3FAE]  }
0x2a: {  	p0 =	seq.s32 s5, $0x0;
	s5 =	sld [smem:$0x3FAF]  }
0x2b: {  	s6 =	sld [smem:$0x3FB0]  }
0x2c: {  	s7 =	sld [smem:$0x3FB1]  }
0x2d: {  	s3 =	simm.s32 $0x108;
	s8 =	sld [smem:$0x3FB2]  }
0x2e: {  	s3 =	simm.s32 @!p0 $0x1082;
	s9 =	sld [smem:$0x3FB3]  }
0x2f: {  	lr =	sadd.s32 s0, s3;
	s0 =	sld [smem:$0x3FAA]  }
0x30: {  	s3 =	sld [smem:$0x3FAD]  }
0x31: {  	[smem:$0x3FB6] =	sst s10  }
0x32: {  	s10 =	sld [smem:$0x3FB4];
	_ =	sdelay $0x3  }
0x33: {  	p0 =	seq.s32 s10, $0x1;
	s10 =	sld [smem:$0x3FB6];
	_ =	sdelay $0x3  }
0x34: {  	[smem:$0x3FB6] =	sst s10  }
0x35: {  	s10 =	sld [smem:$0x3FB5];
	_ =	sdelay $0x3  }
0x36: {  	p1 =	seq.s32 s10, $0x1;
	s10 =	sld [smem:$0x3FB6];
	_ =	sdelay $0x3  }
0x37: {  	[smem:$0x3FB6] =	sst s10  }
0x38: {  	s10 =	sld [smem:$0x3FB7]  }
0x39: {  	_ = 	snop;
	(pc) =	sbr.ind lr, $3  }
0x3a: {  	_ = 	snop  }
0x3b: {  	_ = 	snop  }
0x3c: {  	p2 =	seq.s32 s10, $0x1;
	s10 =	sld [smem:$0x3FB6]  }
0x3d: {  	_ =	shalt  }
0x3e: {  	_ =	shalt  }
0x3f: {  	_ =	shalt  }
0x40: {  	_ =	shalt  }
0x41: {  	_ =	shalt  }
0x42: {  	_ =	shalt  }
0x43: {  	_ =	shalt  }
0x44: {  	_ =	shalt  }
0x45: {  	_ =	shalt  }
0x46: {  	_ =	shalt  }
0x47: {  	_ =	shalt  }
0x48: {  	_ =	shalt  }
0x49: {  	_ =	shalt  }
0x4a: {  	_ =	shalt  }
0x4b: {  	_ =	shalt  }
0x4c: {  	_ =	shalt  }
0x4d: {  	_ =	shalt  }
0x4e: {  	_ =	shalt  }
0x4f: {  	_ =	shalt  }
0x50: {  	_ =	shalt  }
0x51: {  	_ =	shalt  }
0x52: {  	_ =	shalt  }
0x53: {  	_ =	shalt  }
0x54: {  	_ =	shalt  }
0x55: {  	_ =	shalt  }
0x56: {  	_ =	shalt  }
0x57: {  	_ =	shalt  }
0x58: {  	_ =	shalt  }
0x59: {  	_ =	shalt  }
0x5a: {  	_ =	shalt  }
0x5b: {  	_ =	shalt  }
0x5c: {  	_ =	shalt  }
0x5d: {  	_ =	shalt  }
0x5e: {  	_ =	shalt  }
0x5f: {  	_ =	shalt  }
0x60: {  	_ =	shalt  }
0x61: {  	_ =	shalt  }
0x62: {  	_ =	shalt  }
0x63: {  	_ =	shalt  }
0x64: {  	_ =	shalt  }
0x65: {  	_ =	shalt  }
0x66: {  	_ =	shalt  }
0x67: {  	_ =	shalt  }
0x68: {  	_ =	shalt  }
0x69: {  	_ =	shalt  }
0x6a: {  	_ =	shalt  }
0x6b: {  	_ =	shalt  }
0x6c: {  	_ =	shalt  }
0x6d: {  	_ =	shalt  }
0x6e: {  	_ =	shalt  }
0x6f: {  	_ =	shalt  }
0x70: {  	_ =	shalt  }
0x71: {  	_ =	shalt  }
0x72: {  	_ =	shalt  }
0x73: {  	_ =	shalt  }
0x74: {  	_ =	shalt  }
0x75: {  	_ =	shalt  }
0x76: {  	_ =	shalt  }
0x77: {  	_ =	shalt  }
0x78: {  	_ =	shalt  }
0x79: {  	_ =	shalt  }
0x7a: {  	_ =	shalt  }
0x7b: {  	_ =	shalt  }
0x7c: {  	_ =	shalt  }
0x7d: {  	_ =	shalt  }
0x7e: {  	_ =	shalt  }
0x7f: {  	_ =	shalt  }
0x80: {  	_ =	shalt  }
0x81: {  	_ =	shalt  }
0x82: {  	_ =	shalt  }
0x83: {  	_ =	shalt  }
0x84: {  	_ =	shalt  }
0x85: {  	_ =	shalt  }
0x86: {  	_ =	shalt  }
0x87: {  	_ =	shalt  }
.Lfunc_end0:
.L_simem_size_0:
called_computation.1_lowered:
.L_overlay_start_0:
0x88: {  	s2 =	sld [smem:$0x3FD9]  }
0x89: {  	s3 =	sld [smem:$0x3FFE];
	_ =	sdelay $0x1  }
0x8a: {  	s1 =	srdreg.scid  }
0x8b: {  	s0 =	sand.u32 $0x1, s1  }
0x8c: {  	s16 =	sshll.u32 s0, $0xA;
	s2 =	sadd.s32 s3, s2  }
0x8d: {  	s2 =	sadd.s32 s2, s16  }
0x8e: {  	[smem:$0x3FC2] =	sst s2  }
0x8f: {  	_ = 	snop  }
0x90: {  	(tm) =	ssettm $0x1  }
0x91: {  	s17 =	sld [smem:$0x3FFB];
	_ =	sdelay $0x3  }
0x92: {  	_ =	strace s17  }
0x93: {  	s2 =	sld [smem:$0x3FFC];
	_ =	sdelay $0x3  }
0x94: {  	_ =	strace s2  }
0x95: {  	s2 =	sld [smem:$0x3FFD];
	_ =	sdelay $0x3  }
0x96: {  	_ =	strace s2  }
0x97: {  	_ =	strace $0x8FFFFFFF  }
0x98: {  	s18 =	sld [smem:$0x3FDB];
	_ =	sdelay $0x1  }
0x99: {  	s19 =	simm.s32 $_scs_section_size  }
0x9a: {  	s4 =	simm.s32 $_size__tile_overlayer_lowered;
	s5 =	simm.s32 $_tile_overlayer_lowered  }
0x9b: {  	s22 =	simm.s32 $0x1BFF;
	s21 =	sshll.u32 s5, $0x1;
	s2 =	sadd.s32 s19, s18  }
0x9c: {  	s6 =	simm.s32 $0x0;
	s20 =	sshll.u32 s4, $0x1;
	s4 =	sadd.s32 s21, s2  }
0x9d: {  	[timem:s6], [sflag:s22] =	dma.local [hbm:s4], s20  }
0x9e: {  	_ =	swait.ge [sflag:s22], s20  }
0x9f: {  	s3 =	ssub.s32 $0x0, s20;
	[sflag:s22] =	ssyncset.done $0x0  }
0xa0: {  	[sflag:s22] =	ssyncadd.s32 s3;
	_ =	sdelay $0x1  }
0xa1: {  	s23 =	simm.s32 $0x1B8B  }
0xa2: {  	_ =	swait.ge [sflag:s23], $0x1  }
0xa3: {  	[sflag:s23] =	ssyncset.done $0x0  }
0xa4: {  	s25 =	simm.s32 $0x1B8E;
	s24 =	sld [smem:$0x3FFE];
	[sflag:s23] =	ssyncadd.s32 $0xFFFFFFFF  }
0xa5: {  	s26 =	simm.s32 $execute0_lowered;
	[smem:$0x3FD2] =	sst s25  }
0xa6: {  	s4 =	sshll.u32 s26, $0x1;
	_ =	strace $0x80000049;
	[dreg:$0x1] =	wrdreg $0xFFFFFFFF  }
0xa7: {  	s28 =	simm.s32 $_size_execute0_lowered;
	s2 =	sadd.s32 s2, s4;
	[dreg:$0x0] =	wrdreg $0x0  }
0xa8: {  	s4 =	sshll.u32 s28, $0x1;
	[dreg:$0x2] =	wrdreg s2  }
0xa9: {  	[dreg:$0x3] =	wrdreg s4  }
0xaa: {  	[dreg:$0x4] =	wrdreg $0xC0  }
0xab: {  	_ =	task [dreg:s6], $0x5FFFF  }
0xac: {  	[dreg:$0x1] =	wrdreg $0xFFFFFFFF  }
0xad: {  	[dreg:$0x0] =	wrdreg $0x60  }
0xae: {  	[dreg:$0x2] =	wrdreg s24  }
0xaf: {  	[dreg:$0x3] =	wrdreg $0xA8000  }
0xb0: {  	[dreg:$0x4] =	wrdreg $0x9  }
0xb1: {  	_ =	task.clear_ibuf [dreg:s6], $0x5FFFF;
	_ =	strace $0x90000049  }
0xb2: {  	s29 =	simm.s32 $0x9;
	_ =	strace $0x8000004B  }
0xb3: {  	_ =	swait.ge [sflag:s29], $0x1  }
0xb4: {  	[sflag:s29] =	ssyncadd.s32 $0xFFFFFFFF  }
0xb5: {  	_ =	strace $0x9000004B  }
0xb6: {  	_ =	sfence  }
0xb7: {  	s30 =	sld [smem:$0x0];
	_ =	sdelay $0x2  }
0xb8: {  	s31 =	sshll.u32 s1, $0xD;
	s1 =	sshrl.u32 s1, $0x2  }
0xb9: {  	s3 =	sand.u32 $0x4000, s31;
	s1 =	sadd.s32 s1, s30  }
0xba: {  	s0 =	sor.u32 s3, s0;
	s1 =	sshll.u32 s1, $0x11  }
0xbb: {  	s0 =	sor.u32 s1, s0  }
0xbc: {  	s0 =	sadd.s32 $0x8F2B, s0  }
0xbd: {  	[sflag:s0] =	ssyncadd.remote.s32 $0x1  }
0xbe: {  	_ =	sfence.sel $0xFFFF  }
0xbf: {  	[dreg:$0x0] =	wrdreg $0xFFFFFFFF;
	(pc) =	sbr.abs _section_cstart, $3  }
0xc0: {  	[dreg:$0x1] =	wrdreg $0xFFFFFFFF  }
0xc1: {  	_ =	task.clear_ibuf [dreg:s6], $0x2FFFF;
	_ =	strace $0x9FFFFFFF  }
0xc2: {  	(tm) =	ssettm $0x7FFFFFFF  }
0xc3: {  	_ =	shalt  }
tec
execute0_lowered:
.L_overlay_start_1:
0x0: {  	(tag) =	ssettag $0x1  }
0x1: {  	s5 =	rddreg [dreg:$0x0]  }
0x2: {  	s2 =	rddreg [dreg:$0x1]  }
0x3: {  	s0 =	rddreg [dreg:$0x2];
	s1 =	stileid.u32  }
0x4: {  	s3 =	simm.s32 $0x0;
	s4 =	srdreg.scid;
	s6 =	smul.u32 $0x1C00, s1  }
0x5: {  	s18 =	simm.s32 $0x80;
	s19 =	simm.s32 $0x6800;
	s7 =	smul.u32 $0x3400, s1  }
0x6: {  	s20 =	simm.s32 $0x1;
	s21 =	simm.s32 $0x2;
	s9 =	smul.u32 $0x13C00, s1  }
0x7: {  	s22 =	simm.s32 $0x0;
	[smem:$0x7FF] =	sst s3;
	s12 =	smul.u32 $0x2780, s1  }
0x8: {  	s13 =	sand.u32 $0x1, s4;
	s4 =	sadd.s32 $0x74800, s5;
	s29 =	smul.u32 $0x4F000, s1  }
0x9: {  	_ =	strace $0x8000004A;
	s8 =	smul.u32 $0x13C000, s13;
	s28 =	ssub.s32 $0x2, s13  }
0xa: {  	p0 =	sne.s32 s13, $0x0;
	s6 =	sshrl.u32 s6, $0x3;
	s7 =	sshrl.u32 s7, $0x3  }
0xb: {  	s30 =	sadd.s32 s12, s5;
	s14 =	sshrl.u32 s28, $0x1;
	s31 =	sshrl.u32 s29, $0x2  }
0xc: {  	s16 =	sshll.u32 @!p0 s1, $0x6;
	s11 =	sadd.s32 s6, s5;
	s10 =	sadd.s32 s7, s5  }
0xd: {  	s26 =	sadd.s32 s9, s8;
	s14 =	ssub.s32 s28, s14;
	s9 =	sadd.s32 s4, s12  }
0xe: {  	s16 =	sor.u32 @!p0 $0x1C02, s16;
	s6 =	sshrl.u32 s26, $0x3;
	s7 =	sadd.s32 $0x18800, s10  }
0xf: {  	s8 =	sadd.s32 $0x1F000, s10;
	s10 =	sadd.s32 $0x11800, s11;
	s11 =	sadd.s32 $0x15000, s11  }
0x10: {  	s13 =	smax.u32 s14, $0x1;
	s14 =	sshll.u32 @p0 s1, $0x6;
	s15 =	sadd.s32 s6, s5  }
0x11: {  	s5 =	sadd.s32 s31, s2;
	s6 =	sadd.s32 $0x9C000, s30;
	s14 =	sor.u32 @p0 $0x1C02, s14  }
0x12: {  	s12 =	sadd.s32 $0xC3800, s15;
	s15 =	sshrl.u32 @p0 s5, $0x3;
	s17 =	sshrl.u32 @!p0 s5, $0x3  }
.LBB2_1:
0x13: {  	[spmem:s15], [sflag:s14] =	dma.local @p0 [hbm:s6], $0x2780  }
0x14: {  	s23 =	simm.s32 @p0 $0x2  }
0x15: {  	_ =	swait.ge @p0 [sflag:s23], $0x2780  }
0x16: {  	[sflag:s23] =	ssyncset.done @p0 $0x0  }
0x17: {  	s24 =	simm.s32 @p0 $0x0;
	[sflag:s23] =	ssyncadd.s32 @p0 $0xFFFFD880  }
0x18: {  	[tilespmem:s24], [sflag:$0x2] =	stream.linear.gather @p0 [hbm4b:s7+s24], $0x3280, $0x38;
	[tilespmem:$0x1E400] =	vst v63  }
0x19: {  	_ =	swait.ge @p0 [sflag:s23], $0x3280  }
0x1a: {  	[sflag:s23] =	ssyncset.done @p0 $0x0  }
0x1b: {  	s25 =	simm.s32 @p0 $0x3400;
	[sflag:s23] =	ssyncadd.s32 @p0 $0xFFFFCD80  }
0x1c: {  	[tilespmem:s25], [sflag:$0x2] =	stream.linear.gather @p0 [hbm4b:s8+s24], $0x3280, $0x38;
	[tilespmem:$0x1E400] =	vst v63  }
0x1d: {  	_ =	swait.ge @p0 [sflag:s23], $0x3280  }
0x1e: {  	[sflag:s23] =	ssyncset.done @p0 $0x0  }
0x1f: {  	[sflag:s23] =	ssyncadd.s32 @p0 $0xFFFFCD80;
	s23 =	simm.s32 @!p0 $0x2  }
0x20: {  	[spmem:s17], [sflag:s16] =	dma.local @!p0 [hbm:s9], $0x2780  }
0x21: {  	_ =	swait.ge @!p0 [sflag:s23], $0x2780  }
0x22: {  	[sflag:s23] =	ssyncset.done @!p0 $0x0  }
0x23: {  	s24 =	simm.s32 @!p0 $0x0;
	[sflag:s23] =	ssyncadd.s32 @!p0 $0xFFFFD880  }
0x24: {  	[tilespmem:s24], [sflag:$0x2] =	stream.linear.gather @!p0 [hbm4b:s10+s24], $0x1C00, $0x38;
	[tilespmem:$0x1E400] =	vst v63  }
0x25: {  	_ =	swait.ge @!p0 [sflag:s23], $0x1C00  }
0x26: {  	[sflag:s23] =	ssyncset.done @!p0 $0x0  }
0x27: {  	s25 =	simm.s32 @!p0 $0x3400;
	[sflag:s23] =	ssyncadd.s32 @!p0 $0xFFFFE400  }
0x28: {  	[tilespmem:s25], [sflag:$0x2] =	stream.linear.gather @!p0 [hbm4b:s11+s24], $0x1C00, $0x38;
	[tilespmem:$0x1E400] =	vst v63  }
0x29: {  	_ =	swait.ge @!p0 [sflag:s23], $0x1C00  }
0x2a: {  	[sflag:s23] =	ssyncset.done @!p0 $0x0  }
0x2b: {  	s24 =	simm.s32 @!p0 $0x38;
	[sflag:s23] =	ssyncadd.s32 @!p0 $0xFFFFE400  }
0x2c: {  	s24 =	simm.s32 @p0 $0x65;
	[bflag:$0x0] =	sbarrier.arrive $0xFFFF  }
0x2d: {  	[tilespmem:s19], [sflag:$0x1] =	stream.indirect.gather [hbm4b:s4+s18], $0x80, s3, s18, $0xb8;
	[tilespmem:$0x1E400] =	vst v63  }
0x2e: {  	p1 =	sne.s32 s24, $0x1;
	_ =	swait.ge [sflag:s20], $0x4000  }
.Ltmp0:
0x2f: {  	[sflag:s20] =	ssyncset.done $0x0;
	(pc) =	sbr.rel @!p1 .LBB2_3-.Ltmp0, $4  }
0x30: {  	s23 =	simm.s32 $0x3400;
	[sflag:s20] =	ssyncadd.s32 $0xFFFFC000  }
0x31: {  	[spmem:s2] =	stream.indirect.scatter.add.f32 [tilespmem:s19], [sflag:$0x2], $0x80, s23, s18, $0xb8;
	[tilespmem:$0x1E400] =	vst v63  }
0x32: {  	_ =	swait.ge [sflag:s21], $0x4000  }
0x33: {  	s25 =	simm.s32 $0x0;
	s24 =	sadd.s32 $0xFFFFFFFF, s24;
	[sflag:s21] =	ssyncset.done $0x0  }
.LBB2_2:
0x34: {  	[sflag:s21] =	ssyncadd.s32 $0xFFFFC000;
	s25 =	sadd.s32 $0x80, s25;
	s23 =	sadd.s32 $0x80, s23  }
0x35: {  	[tilespmem:s19], [sflag:$0x1] =	stream.indirect.gather [hbm4b:s4+s18], $0x80, s25, s18, $0xb8;
	[tilespmem:$0x1E400] =	vst v63  }
0x36: {  	p1 =	sne.s32 s24, $0x1;
	s24 =	sadd.s32 $0xFFFFFFFF, s24;
	_ =	swait.ge [sflag:s20], $0x4000  }
.Ltmp1:
0x37: {  	[sflag:s20] =	ssyncset.done $0x0;
	(pc) =	sbr.rel @p1 .LBB2_2-.Ltmp1, $4  }
0x38: {  	[sflag:s20] =	ssyncadd.s32 $0xFFFFC000  }
0x39: {  	[spmem:s2] =	stream.indirect.scatter.add.f32 [tilespmem:s19], [sflag:$0x2], $0x80, s23, s18, $0xb8;
	[tilespmem:$0x1E400] =	vst v63  }
0x3a: {  	_ =	swait.ge [sflag:s21], $0x4000  }
0x3b: {  	[sflag:s21] =	ssyncset.done $0x0  }
.LBB2_3:
0x3c: {  	[sflag:s21] =	ssyncadd.s32 $0xFFFFC000;
	s22 =	sadd.s32 $0x1, s22  }
0x3d: {  	s23 =	sshll.u32 s1, $0x6;
	s24 =	sshrl.u32 s5, $0x3;
	p1 =	sne.s32 s22, s13  }
.Ltmp2:
0x3e: {  	[bflag:$0x0] =	sbarrier.arrive $0xFFFF;
	s23 =	sor.u32 $0x1C02, s23;
	(pc) =	sbr.rel @p1 .LBB2_1-.Ltmp2, $4  }
0x3f: {  	[hbm:s12], [sflag:s23] =	dma.local [spmem:s24], $0x2780  }
0x40: {  	_ =	swait.ge [sflag:s21], $0x2780  }
0x41: {  	[sflag:s21] =	ssyncset.done $0x0  }
0x42: {  	[sflag:s21] =	ssyncadd.s32 $0xFFFFD880  }
0x43: {  	_ =	sfence.sel $0x180000  }
0x44: {  	[bflag:$0x0] =	sbarrier.arrive $0xFFFF  }
0x45: {  	p0 =	sne.s32 s1, $0x0;
	_ =	strace $0x9000004A  }
0x46: {  	s0 =	sadd.s32 @!p0 $0x100000, s0;
	[bflag:$0x2] =	sbarrier.arrive $0xFFFF  }
0x47: {  	[sflag:s0] =	ssyncadd.tile.s32 @!p0 $0x1;
	_ =	shalt  }
.Lfunc_end2:
_tile_overlayer_lowered:
.L_overlay_start_2:
0x48: {  	(tag) =	ssettag $0x2  }
0x49: {  	s0 =	rddreg [dreg:$0x0];
	s2 =	stileid.u32  }
0x4a: {  	s1 =	rddreg [dreg:$0x1];
	p0 =	sne.s32 s2, $0x0  }
0x4b: {  	s3 =	rddreg [dreg:$0x2];
	[bflag:$0x3] =	sbarrier.arrive $0xFFFF;
	s2 =	simm.s32 @!p0 $0x1C02  }
0x4c: {  	[timem:s3], [sflag:s2] =	dma.local @!p0 [hbm:s0], s1  }
0x4d: {  	s0 =	simm.s32 @!p0 $0x2  }
0x4e: {  	_ =	swait.ge @!p0 [sflag:s0], s1  }
0x4f: {  	s1 =	ssub.s32 @!p0 $0x0, s1;
	[sflag:s0] =	ssyncset.done @!p0 $0x0  }
0x50: {  	[sflag:s0] =	ssyncadd.s32 @!p0 s1  }
0x51: {  	[bflag:$0x3] =	sbarrier.arrive $0xFFFF  }
0x52: {  	_ =	shalt  }

// kernel: kernel.14.cloned.1.call-start
scs
__scs_entry_jumppad:
0x0: {  	(pc) =	sbr.rel $0x88, $3  }
0x1: {  	(tag) =	ssettag $0x0;
	lr =	simm.s32 $0x1  }
0x2: {  	[smem:$0x3F9B] =	sst lr;
	_ =	strace $0xD0000000  }
0x3: {  	_ = 	snop  }
0x4: {  	_ = 	snop  }
0x5: {  	_ = 	snop  }
0x6: {  	_ = 	snop  }
0x7: {  	_ = 	snop  }
__scs_overlays_trampoline_lowered:
0x8: {  	[smem:$0x3FAA] =	sst s0  }
0x9: {  	[smem:$0x3FAB] =	sst s1  }
0xa: {  	[smem:$0x3FAC] =	sst s2  }
0xb: {  	[smem:$0x3FAD] =	sst s3  }
0xc: {  	[smem:$0x3FAE] =	sst s4  }
0xd: {  	[smem:$0x3FAF] =	sst s5  }
0xe: {  	[smem:$0x3FB0] =	sst s6  }
0xf: {  	[smem:$0x3FB1] =	sst s7  }
0x10: {  	[smem:$0x3FB2] =	sst s8  }
0x11: {  	[smem:$0x3FB3] =	sst s9;
	s0 =	simm.s32 @!p0 $0x0  }
0x12: {  	s1 =	sld [smem:$0x3F99];
	s0 =	simm.s32 @p0 $0x1  }
0x13: {  	[smem:$0x3FB4] =	sst s0;
	s0 =	simm.s32 @!p1 $0x0  }
0x14: {  	s2 =	sld [smem:$0x3F98];
	s0 =	simm.s32 @p1 $0x1  }
0x15: {  	[smem:$0x3FB5] =	sst s0;
	s0 =	simm.s32 @!p2 $0x0  }
0x16: {  	s3 =	sld [smem:$0x3FDB];
	s0 =	simm.s32 @p2 $0x1  }
0x17: {  	s4 =	simm.s32 $0x1BF5;
	[smem:$0x3FB7] =	sst s0  }
0x18: {  	s0 =	sld [smem:$0x3F9A];
	_ =	swait.ge [sflag:s4], $0x0  }
0x19: {  	s7 =	sld [smem:$0x3F9B]  }
0x1a: {  	s8 =	sadd.s32 $0xFFFFE003, lr  }
0x1b: {  	s9 =	sadd.s32 $0xFFFFFEF7, lr;
	s5 =	simm.s32 $0xFFFFFFFF;
	p2 =	slt.u32 s8, $0xFFFFF086  }
0x1c: {  	p1 =	slt.u32 s9, $0xF7A;
	s5 =	simm.s32 @!p2 $0x0  }
0x1d: {  	s5 =	simm.s32 @p1 $0x1;
	p0 =	seq.s32 s7, s2  }
0x1e: {  	s7 =	smul.u32 @!p0 $0xF7A, s2;
	p2 =	seq.s32 @!p0 s5, $0x0  }
0x1f: {  	s9 =	smul.u32 $0xF7A, s1;
	s8 =	simm.s32 @!p0 $0x1BF5;
	p2 =	por !p2, p0  }
0x20: {  	[sflag:s8] =	ssyncset.s32 @!p0 $0xFFFFF086;
	s6 =	sadd.s32 @!p0 s3, s7;
	s7 =	simm.s32 @!p0 $0x108  }
0x21: {  	s3 =	sadd.s32 s3, s9;
	s6 =	sadd.s32 @!p0 $0x88, s6;
	s7 =	simm.s32 @p2 $0x1082  }
0x22: {  	[simem:s7], [sflag:s8] =	dma.local @!p0 [hbm:s6], $0xF7A  }
0x23: {  	s9 =	sor.u32 $0xD0000000, s2;
	s6 =	simm.s32 $0x108;
	_ =	swait.ge @!p0 [sflag:s8], $0x0  }
0x24: {  	s3 =	sadd.s32 $0x88, s3;
	s6 =	simm.s32 @!p1 $0x1082;
	[sflag:s4] =	ssyncset.s32 $0xFFFFF086  }
0x25: {  	[simem:s6], [sflag:s4] =	dma.local [hbm:s3], $0xF7A  }
0x26: {  	[smem:$0x3F9B] =	sst s1;
	(tag) =	ssettag s2;
	_ =	strace s9  }
0x27: {  	s1 =	sld [smem:$0x3FAB]  }
0x28: {  	s2 =	sld [smem:$0x3FAC]  }
0x29: {  	s4 =	sld [smem:$0x3FAE]  }
0x2a: {  	p0 =	seq.s32 s5, $0x0;
	s5 =	sld [smem:$0x3FAF]  }
0x2b: {  	s6 =	sld [smem:$0x3FB0]  }
0x2c: {  	s7 =	sld [smem:$0x3FB1]  }
0x2d: {  	s3 =	simm.s32 $0x108;
	s8 =	sld [smem:$0x3FB2]  }
0x2e: {  	s3 =	simm.s32 @!p0 $0x1082;
	s9 =	sld [smem:$0x3FB3]  }
0x2f: {  	lr =	sadd.s32 s0, s3;
	s0 =	sld [smem:$0x3FAA]  }
0x30: {  	s3 =	sld [smem:$0x3FAD]  }
0x31: {  	[smem:$0x3FB6] =	sst s10  }
0x32: {  	s10 =	sld [smem:$0x3FB4];
	_ =	sdelay $0x3  }
0x33: {  	p0 =	seq.s32 s10, $0x1;
	s10 =	sld [smem:$0x3FB6];
	_ =	sdelay $0x3  }
0x34: {  	[smem:$0x3FB6] =	sst s10  }
0x35: {  	s10 =	sld [smem:$0x3FB5];
	_ =	sdelay $0x3  }
0x36: {  	p1 =	seq.s32 s10, $0x1;
	s10 =	sld [smem:$0x3FB6];
	_ =	sdelay $0x3  }
0x37: {  	[smem:$0x3FB6] =	sst s10  }
0x38: {  	s10 =	sld [smem:$0x3FB7]  }
0x39: {  	_ = 	snop;
	(pc) =	sbr.ind lr, $3  }
0x3a: {  	_ = 	snop  }
0x3b: {  	_ = 	snop  }
0x3c: {  	p2 =	seq.s32 s10, $0x1;
	s10 =	sld [smem:$0x3FB6]  }
0x3d: {  	_ =	shalt  }
0x3e: {  	_ =	shalt  }
0x3f: {  	_ =	shalt  }
0x40: {  	_ =	shalt  }
0x41: {  	_ =	shalt  }
0x42: {  	_ =	shalt  }
0x43: {  	_ =	shalt  }
0x44: {  	_ =	shalt  }
0x45: {  	_ =	shalt  }
0x46: {  	_ =	shalt  }
0x47: {  	_ =	shalt  }
0x48: {  	_ =	shalt  }
0x49: {  	_ =	shalt  }
0x4a: {  	_ =	shalt  }
0x4b: {  	_ =	shalt  }
0x4c: {  	_ =	shalt  }
0x4d: {  	_ =	shalt  }
0x4e: {  	_ =	shalt  }
0x4f: {  	_ =	shalt  }
0x50: {  	_ =	shalt  }
0x51: {  	_ =	shalt  }
0x52: {  	_ =	shalt  }
0x53: {  	_ =	shalt  }
0x54: {  	_ =	shalt  }
0x55: {  	_ =	shalt  }
0x56: {  	_ =	shalt  }
0x57: {  	_ =	shalt  }
0x58: {  	_ =	shalt  }
0x59: {  	_ =	shalt  }
0x5a: {  	_ =	shalt  }
0x5b: {  	_ =	shalt  }
0x5c: {  	_ =	shalt  }
0x5d: {  	_ =	shalt  }
0x5e: {  	_ =	shalt  }
0x5f: {  	_ =	shalt  }
0x60: {  	_ =	shalt  }
0x61: {  	_ =	shalt  }
0x62: {  	_ =	shalt  }
0x63: {  	_ =	shalt  }
0x64: {  	_ =	shalt  }
0x65: {  	_ =	shalt  }
0x66: {  	_ =	shalt  }
0x67: {  	_ =	shalt  }
0x68: {  	_ =	shalt  }
0x69: {  	_ =	shalt  }
0x6a: {  	_ =	shalt  }
0x6b: {  	_ =	shalt  }
0x6c: {  	_ =	shalt  }
0x6d: {  	_ =	shalt  }
0x6e: {  	_ =	shalt  }
0x6f: {  	_ =	shalt  }
0x70: {  	_ =	shalt  }
0x71: {  	_ =	shalt  }
0x72: {  	_ =	shalt  }
0x73: {  	_ =	shalt  }
0x74: {  	_ =	shalt  }
0x75: {  	_ =	shalt  }
0x76: {  	_ =	shalt  }
0x77: {  	_ =	shalt  }
0x78: {  	_ =	shalt  }
0x79: {  	_ =	shalt  }
0x7a: {  	_ =	shalt  }
0x7b: {  	_ =	shalt  }
0x7c: {  	_ =	shalt  }
0x7d: {  	_ =	shalt  }
0x7e: {  	_ =	shalt  }
0x7f: {  	_ =	shalt  }
0x80: {  	_ =	shalt  }
0x81: {  	_ =	shalt  }
0x82: {  	_ =	shalt  }
0x83: {  	_ =	shalt  }
0x84: {  	_ =	shalt  }
0x85: {  	_ =	shalt  }
0x86: {  	_ =	shalt  }
0x87: {  	_ =	shalt  }
.Lfunc_end0:
.L_simem_size_0:
called_computation.2_lowered:
.L_overlay_start_0:
0x88: {  	s2 =	sld [smem:$0x3FD9]  }
0x89: {  	s3 =	sld [smem:$0x3FFE];
	_ =	sdelay $0x1  }
0x8a: {  	s1 =	srdreg.scid  }
0x8b: {  	s0 =	sand.u32 $0x1, s1  }
0x8c: {  	s16 =	sshll.u32 s0, $0xA;
	s2 =	sadd.s32 s3, s2  }
0x8d: {  	s2 =	sadd.s32 s2, s16  }
0x8e: {  	[smem:$0x3FC2] =	sst s2  }
0x8f: {  	_ = 	snop  }
0x90: {  	(tm) =	ssettm $0x1  }
0x91: {  	s17 =	sld [smem:$0x3FFB];
	_ =	sdelay $0x3  }
0x92: {  	_ =	strace s17  }
0x93: {  	s2 =	sld [smem:$0x3FFC];
	_ =	sdelay $0x3  }
0x94: {  	_ =	strace s2  }
0x95: {  	s2 =	sld [smem:$0x3FFD];
	_ =	sdelay $0x3  }
0x96: {  	_ =	strace s2  }
0x97: {  	_ =	strace $0x8FFFFFFF  }
0x98: {  	s18 =	sld [smem:$0x3FDB];
	_ =	sdelay $0x1  }
0x99: {  	s19 =	simm.s32 $_scs_section_size  }
0x9a: {  	s4 =	simm.s32 $_size__tile_overlayer_lowered;
	s5 =	simm.s32 $_tile_overlayer_lowered  }
0x9b: {  	s22 =	simm.s32 $0x1BFF;
	s21 =	sshll.u32 s5, $0x1;
	s2 =	sadd.s32 s19, s18  }
0x9c: {  	s6 =	simm.s32 $0x0;
	s20 =	sshll.u32 s4, $0x1;
	s4 =	sadd.s32 s21, s2  }
0x9d: {  	[timem:s6], [sflag:s22] =	dma.local [hbm:s4], s20  }
0x9e: {  	_ =	swait.ge [sflag:s22], s20  }
0x9f: {  	s3 =	ssub.s32 $0x0, s20;
	[sflag:s22] =	ssyncset.done $0x0  }
0xa0: {  	[sflag:s22] =	ssyncadd.s32 s3;
	_ =	sdelay $0x1  }
0xa1: {  	s23 =	simm.s32 $0x1B8B  }
0xa2: {  	_ =	swait.ge [sflag:s23], $0x1  }
0xa3: {  	[sflag:s23] =	ssyncset.done $0x0  }
0xa4: {  	s25 =	simm.s32 $0x1B8E;
	s24 =	sld [smem:$0x3FFE];
	[sflag:s23] =	ssyncadd.s32 $0xFFFFFFFF  }
0xa5: {  	s26 =	simm.s32 $execute0_lowered;
	[smem:$0x3FD2] =	sst s25  }
0xa6: {  	s4 =	sshll.u32 s26, $0x1;
	_ =	strace $0x8000004C;
	[dreg:$0x1] =	wrdreg $0xFFFFFFFF  }
0xa7: {  	s28 =	simm.s32 $_size_execute0_lowered;
	s2 =	sadd.s32 s2, s4;
	[dreg:$0x0] =	wrdreg $0x0  }
0xa8: {  	s4 =	sshll.u32 s28, $0x1;
	[dreg:$0x2] =	wrdreg s2  }
0xa9: {  	[dreg:$0x3] =	wrdreg s4  }
0xaa: {  	[dreg:$0x4] =	wrdreg $0xC0  }
0xab: {  	_ =	task [dreg:s6], $0x5FFFF  }
0xac: {  	[dreg:$0x1] =	wrdreg $0xFFFFFFFF  }
0xad: {  	[dreg:$0x0] =	wrdreg $0x60  }
0xae: {  	[dreg:$0x2] =	wrdreg s24  }
0xaf: {  	[dreg:$0x3] =	wrdreg $0xA8000  }
0xb0: {  	[dreg:$0x4] =	wrdreg $0x9  }
0xb1: {  	_ =	task.clear_ibuf [dreg:s6], $0x5FFFF;
	_ =	strace $0x9000004C  }
0xb2: {  	s29 =	simm.s32 $0x9;
	_ =	strace $0x8000004E  }
0xb3: {  	_ =	swait.ge [sflag:s29], $0x1  }
0xb4: {  	[sflag:s29] =	ssyncadd.s32 $0xFFFFFFFF  }
0xb5: {  	_ =	strace $0x9000004E  }
0xb6: {  	_ =	sfence  }
0xb7: {  	s30 =	sld [smem:$0x0];
	_ =	sdelay $0x2  }
0xb8: {  	s31 =	sshll.u32 s1, $0xD;
	s1 =	sshrl.u32 s1, $0x2  }
0xb9: {  	s3 =	sand.u32 $0x4000, s31;
	s1 =	sadd.s32 s1, s30  }
0xba: {  	s0 =	sor.u32 s3, s0;
	s1 =	sshll.u32 s1, $0x11  }
0xbb: {  	s0 =	sor.u32 s1, s0  }
0xbc: {  	s0 =	sadd.s32 $0x8F2B, s0  }
0xbd: {  	[sflag:s0] =	ssyncadd.remote.s32 $0x1  }
0xbe: {  	_ =	sfence.sel $0xFFFF  }
0xbf: {  	[dreg:$0x0] =	wrdreg $0xFFFFFFFF;
	(pc) =	sbr.abs _section_cstart, $3  }
0xc0: {  	[dreg:$0x1] =	wrdreg $0xFFFFFFFF  }
0xc1: {  	_ =	task.clear_ibuf [dreg:s6], $0x2FFFF;
	_ =	strace $0x9FFFFFFF  }
0xc2: {  	(tm) =	ssettm $0x7FFFFFFF  }
0xc3: {  	_ =	shalt  }
tec
execute0_lowered:
.L_overlay_start_1:
0x0: {  	(tag) =	ssettag $0x1  }
0x1: {  	s5 =	rddreg [dreg:$0x0]  }
0x2: {  	s2 =	rddreg [dreg:$0x1]  }
0x3: {  	s0 =	rddreg [dreg:$0x2];
	s1 =	stileid.u32  }
0x4: {  	s3 =	simm.s32 $0x0;
	s4 =	srdreg.scid;
	s6 =	smul.u32 $0x1C00, s1  }
0x5: {  	s18 =	simm.s32 $0x80;
	s19 =	simm.s32 $0x6800;
	s7 =	smul.u32 $0x3400, s1  }
0x6: {  	s20 =	simm.s32 $0x1;
	s21 =	simm.s32 $0x2;
	s9 =	smul.u32 $0x13C00, s1  }
0x7: {  	s22 =	simm.s32 $0x0;
	[smem:$0x7FF] =	sst s3;
	s12 =	smul.u32 $0x2780, s1  }
0x8: {  	s13 =	sand.u32 $0x1, s4;
	s4 =	sadd.s32 $0x74800, s5;
	s29 =	smul.u32 $0x4F000, s1  }
0x9: {  	_ =	strace $0x8000004D;
	s8 =	smul.u32 $0x13C000, s13;
	s28 =	ssub.s32 $0x2, s13  }
0xa: {  	p0 =	sne.s32 s13, $0x0;
	s6 =	sshrl.u32 s6, $0x3;
	s7 =	sshrl.u32 s7, $0x3  }
0xb: {  	s30 =	sadd.s32 s12, s5;
	s14 =	sshrl.u32 s28, $0x1;
	s31 =	sshrl.u32 s29, $0x2  }
0xc: {  	s16 =	sshll.u32 @!p0 s1, $0x6;
	s11 =	sadd.s32 s6, s5;
	s10 =	sadd.s32 s7, s5  }
0xd: {  	s26 =	sadd.s32 s9, s8;
	s14 =	ssub.s32 s28, s14;
	s9 =	sadd.s32 s4, s12  }
0xe: {  	s16 =	sor.u32 @!p0 $0x1C02, s16;
	s6 =	sshrl.u32 s26, $0x3;
	s7 =	sadd.s32 $0x18800, s10  }
0xf: {  	s8 =	sadd.s32 $0x1F000, s10;
	s10 =	sadd.s32 $0x11800, s11;
	s11 =	sadd.s32 $0x15000, s11  }
0x10: {  	s13 =	smax.u32 s14, $0x1;
	s14 =	sshll.u32 @p0 s1, $0x6;
	s15 =	sadd.s32 s6, s5  }
0x11: {  	s5 =	sadd.s32 s31, s2;
	s6 =	sadd.s32 $0x9C000, s30;
	s14 =	sor.u32 @p0 $0x1C02, s14  }
0x12: {  	s12 =	sadd.s32 $0xC3800, s15;
	s15 =	sshrl.u32 @p0 s5, $0x3;
	s17 =	sshrl.u32 @!p0 s5, $0x3  }
.LBB2_1:
0x13: {  	[spmem:s15], [sflag:s14] =	dma.local @p0 [hbm:s6], $0x2780  }
0x14: {  	s23 =	simm.s32 @p0 $0x2  }
0x15: {  	_ =	swait.ge @p0 [sflag:s23], $0x2780  }
0x16: {  	[sflag:s23] =	ssyncset.done @p0 $0x0  }
0x17: {  	s24 =	simm.s32 @p0 $0x0;
	[sflag:s23] =	ssyncadd.s32 @p0 $0xFFFFD880  }
0x18: {  	[tilespmem:s24], [sflag:$0x2] =	stream.linear.gather @p0 [hbm4b:s7+s24], $0x3280, $0x38;
	[tilespmem:$0x1E400] =	vst v63  }
0x19: {  	_ =	swait.ge @p0 [sflag:s23], $0x3280  }
0x1a: {  	[sflag:s23] =	ssyncset.done @p0 $0x0  }
0x1b: {  	s25 =	simm.s32 @p0 $0x3400;
	[sflag:s23] =	ssyncadd.s32 @p0 $0xFFFFCD80  }
0x1c: {  	[tilespmem:s25], [sflag:$0x2] =	stream.linear.gather @p0 [hbm4b:s8+s24], $0x3280, $0x38;
	[tilespmem:$0x1E400] =	vst v63  }
0x1d: {  	_ =	swait.ge @p0 [sflag:s23], $0x3280  }
0x1e: {  	[sflag:s23] =	ssyncset.done @p0 $0x0  }
0x1f: {  	[sflag:s23] =	ssyncadd.s32 @p0 $0xFFFFCD80;
	s23 =	simm.s32 @!p0 $0x2  }
0x20: {  	[spmem:s17], [sflag:s16] =	dma.local @!p0 [hbm:s9], $0x2780  }
0x21: {  	_ =	swait.ge @!p0 [sflag:s23], $0x2780  }
0x22: {  	[sflag:s23] =	ssyncset.done @!p0 $0x0  }
0x23: {  	s24 =	simm.s32 @!p0 $0x0;
	[sflag:s23] =	ssyncadd.s32 @!p0 $0xFFFFD880  }
0x24: {  	[tilespmem:s24], [sflag:$0x2] =	stream.linear.gather @!p0 [hbm4b:s10+s24], $0x1C00, $0x38;
	[tilespmem:$0x1E400] =	vst v63  }
0x25: {  	_ =	swait.ge @!p0 [sflag:s23], $0x1C00  }
0x26: {  	[sflag:s23] =	ssyncset.done @!p0 $0x0  }
0x27: {  	s25 =	simm.s32 @!p0 $0x3400;
	[sflag:s23] =	ssyncadd.s32 @!p0 $0xFFFFE400  }
0x28: {  	[tilespmem:s25], [sflag:$0x2] =	stream.linear.gather @!p0 [hbm4b:s11+s24], $0x1C00, $0x38;
	[tilespmem:$0x1E400] =	vst v63  }
0x29: {  	_ =	swait.ge @!p0 [sflag:s23], $0x1C00  }
0x2a: {  	[sflag:s23] =	ssyncset.done @!p0 $0x0  }
0x2b: {  	s24 =	simm.s32 @!p0 $0x38;
	[sflag:s23] =	ssyncadd.s32 @!p0 $0xFFFFE400  }
0x2c: {  	s24 =	simm.s32 @p0 $0x65;
	[bflag:$0x0] =	sbarrier.arrive $0xFFFF  }
0x2d: {  	[tilespmem:s19], [sflag:$0x1] =	stream.indirect.gather [hbm4b:s4+s18], $0x80, s3, s18, $0xb8;
	[tilespmem:$0x1E400] =	vst v63  }
0x2e: {  	p1 =	sne.s32 s24, $0x1;
	_ =	swait.ge [sflag:s20], $0x4000  }
.Ltmp0:
0x2f: {  	[sflag:s20] =	ssyncset.done $0x0;
	(pc) =	sbr.rel @!p1 .LBB2_3-.Ltmp0, $4  }
0x30: {  	s23 =	simm.s32 $0x3400;
	[sflag:s20] =	ssyncadd.s32 $0xFFFFC000  }
0x31: {  	[spmem:s2] =	stream.indirect.scatter.add.f32 [tilespmem:s19], [sflag:$0x2], $0x80, s23, s18, $0xb8;
	[tilespmem:$0x1E400] =	vst v63  }
0x32: {  	_ =	swait.ge [sflag:s21], $0x4000  }
0x33: {  	s25 =	simm.s32 $0x0;
	s24 =	sadd.s32 $0xFFFFFFFF, s24;
	[sflag:s21] =	ssyncset.done $0x0  }
.LBB2_2:
0x34: {  	[sflag:s21] =	ssyncadd.s32 $0xFFFFC000;
	s25 =	sadd.s32 $0x80, s25;
	s23 =	sadd.s32 $0x80, s23  }
0x35: {  	[tilespmem:s19], [sflag:$0x1] =	stream.indirect.gather [hbm4b:s4+s18], $0x80, s25, s18, $0xb8;
	[tilespmem:$0x1E400] =	vst v63  }
0x36: {  	p1 =	sne.s32 s24, $0x1;
	s24 =	sadd.s32 $0xFFFFFFFF, s24;
	_ =	swait.ge [sflag:s20], $0x4000  }
.Ltmp1:
0x37: {  	[sflag:s20] =	ssyncset.done $0x0;
	(pc) =	sbr.rel @p1 .LBB2_2-.Ltmp1, $4  }
0x38: {  	[sflag:s20] =	ssyncadd.s32 $0xFFFFC000  }
0x39: {  	[spmem:s2] =	stream.indirect.scatter.add.f32 [tilespmem:s19], [sflag:$0x2], $0x80, s23, s18, $0xb8;
	[tilespmem:$0x1E400] =	vst v63  }
0x3a: {  	_ =	swait.ge [sflag:s21], $0x4000  }
0x3b: {  	[sflag:s21] =	ssyncset.done $0x0  }
.LBB2_3:
0x3c: {  	[sflag:s21] =	ssyncadd.s32 $0xFFFFC000;
	s22 =	sadd.s32 $0x1, s22  }
0x3d: {  	s23 =	sshll.u32 s1, $0x6;
	s24 =	sshrl.u32 s5, $0x3;
	p1 =	sne.s32 s22, s13  }
.Ltmp2:
0x3e: {  	[bflag:$0x0] =	sbarrier.arrive $0xFFFF;
	s23 =	sor.u32 $0x1C02, s23;
	(pc) =	sbr.rel @p1 .LBB2_1-.Ltmp2, $4  }
0x3f: {  	[hbm:s12], [sflag:s23] =	dma.local [spmem:s24], $0x2780  }
0x40: {  	_ =	swait.ge [sflag:s21], $0x2780  }
0x41: {  	[sflag:s21] =	ssyncset.done $0x0  }
0x42: {  	[sflag:s21] =	ssyncadd.s32 $0xFFFFD880  }
0x43: {  	_ =	sfence.sel $0x180000  }
0x44: {  	[bflag:$0x0] =	sbarrier.arrive $0xFFFF  }
0x45: {  	p0 =	sne.s32 s1, $0x0;
	_ =	strace $0x9000004D  }
0x46: {  	s0 =	sadd.s32 @!p0 $0x100000, s0;
	[bflag:$0x2] =	sbarrier.arrive $0xFFFF  }
0x47: {  	[sflag:s0] =	ssyncadd.tile.s32 @!p0 $0x1;
	_ =	shalt  }
.Lfunc_end2:
_tile_overlayer_lowered:
.L_overlay_start_2:
0x48: {  	(tag) =	ssettag $0x2  }
0x49: {  	s0 =	rddreg [dreg:$0x0];
	s2 =	stileid.u32  }
0x4a: {  	s1 =	rddreg [dreg:$0x1];
	p0 =	sne.s32 s2, $0x0  }
0x4b: {  	s3 =	rddreg [dreg:$0x2];
	[bflag:$0x3] =	sbarrier.arrive $0xFFFF;
	s2 =	simm.s32 @!p0 $0x1C02  }
0x4c: {  	[timem:s3], [sflag:s2] =	dma.local @!p0 [hbm:s0], s1  }
0x4d: {  	s0 =	simm.s32 @!p0 $0x2  }
0x4e: {  	_ =	swait.ge @!p0 [sflag:s0], s1  }
0x4f: {  	s1 =	ssub.s32 @!p0 $0x0, s1;
	[sflag:s0] =	ssyncset.done @!p0 $0x0  }
0x50: {  	[sflag:s0] =	ssyncadd.s32 @!p0 s1  }
0x51: {  	[bflag:$0x3] =	sbarrier.arrive $0xFFFF  }
0x52: {  	_ =	shalt  }

// kernel: kernel.8.cloned.1.call-start
scs
__scs_entry_jumppad:
0x0: {  	(pc) =	sbr.rel $0x88, $3  }
0x1: {  	(tag) =	ssettag $0x0;
	lr =	simm.s32 $0x1  }
0x2: {  	[smem:$0x3F9B] =	sst lr;
	_ =	strace $0xD0000000  }
0x3: {  	_ = 	snop  }
0x4: {  	_ = 	snop  }
0x5: {  	_ = 	snop  }
0x6: {  	_ = 	snop  }
0x7: {  	_ = 	snop  }
__scs_overlays_trampoline_lowered:
0x8: {  	[smem:$0x3FAA] =	sst s0  }
0x9: {  	[smem:$0x3FAB] =	sst s1  }
0xa: {  	[smem:$0x3FAC] =	sst s2  }
0xb: {  	[smem:$0x3FAD] =	sst s3  }
0xc: {  	[smem:$0x3FAE] =	sst s4  }
0xd: {  	[smem:$0x3FAF] =	sst s5  }
0xe: {  	[smem:$0x3FB0] =	sst s6  }
0xf: {  	[smem:$0x3FB1] =	sst s7  }
0x10: {  	[smem:$0x3FB2] =	sst s8  }
0x11: {  	[smem:$0x3FB3] =	sst s9;
	s0 =	simm.s32 @!p0 $0x0  }
0x12: {  	s1 =	sld [smem:$0x3F99];
	s0 =	simm.s32 @p0 $0x1  }
0x13: {  	[smem:$0x3FB4] =	sst s0;
	s0 =	simm.s32 @!p1 $0x0  }
0x14: {  	s2 =	sld [smem:$0x3F98];
	s0 =	simm.s32 @p1 $0x1  }
0x15: {  	[smem:$0x3FB5] =	sst s0;
	s0 =	simm.s32 @!p2 $0x0  }
0x16: {  	s3 =	sld [smem:$0x3FDB];
	s0 =	simm.s32 @p2 $0x1  }
0x17: {  	s4 =	simm.s32 $0x1BF5;
	[smem:$0x3FB7] =	sst s0  }
0x18: {  	s0 =	sld [smem:$0x3F9A];
	_ =	swait.ge [sflag:s4], $0x0  }
0x19: {  	s7 =	sld [smem:$0x3F9B]  }
0x1a: {  	s8 =	sadd.s32 $0xFFFFE003, lr  }
0x1b: {  	s9 =	sadd.s32 $0xFFFFFEF7, lr;
	s5 =	simm.s32 $0xFFFFFFFF;
	p2 =	slt.u32 s8, $0xFFFFF086  }
0x1c: {  	p1 =	slt.u32 s9, $0xF7A;
	s5 =	simm.s32 @!p2 $0x0  }
0x1d: {  	s5 =	simm.s32 @p1 $0x1;
	p0 =	seq.s32 s7, s2  }
0x1e: {  	s7 =	smul.u32 @!p0 $0xF7A, s2;
	p2 =	seq.s32 @!p0 s5, $0x0  }
0x1f: {  	s9 =	smul.u32 $0xF7A, s1;
	s8 =	simm.s32 @!p0 $0x1BF5;
	p2 =	por !p2, p0  }
0x20: {  	[sflag:s8] =	ssyncset.s32 @!p0 $0xFFFFF086;
	s6 =	sadd.s32 @!p0 s3, s7;
	s7 =	simm.s32 @!p0 $0x108  }
0x21: {  	s3 =	sadd.s32 s3, s9;
	s6 =	sadd.s32 @!p0 $0x88, s6;
	s7 =	simm.s32 @p2 $0x1082  }
0x22: {  	[simem:s7], [sflag:s8] =	dma.local @!p0 [hbm:s6], $0xF7A  }
0x23: {  	s9 =	sor.u32 $0xD0000000, s2;
	s6 =	simm.s32 $0x108;
	_ =	swait.ge @!p0 [sflag:s8], $0x0  }
0x24: {  	s3 =	sadd.s32 $0x88, s3;
	s6 =	simm.s32 @!p1 $0x1082;
	[sflag:s4] =	ssyncset.s32 $0xFFFFF086  }
0x25: {  	[simem:s6], [sflag:s4] =	dma.local [hbm:s3], $0xF7A  }
0x26: {  	[smem:$0x3F9B] =	sst s1;
	(tag) =	ssettag s2;
	_ =	strace s9  }
0x27: {  	s1 =	sld [smem:$0x3FAB]  }
0x28: {  	s2 =	sld [smem:$0x3FAC]  }
0x29: {  	s4 =	sld [smem:$0x3FAE]  }
0x2a: {  	p0 =	seq.s32 s5, $0x0;
	s5 =	sld [smem:$0x3FAF]  }
0x2b: {  	s6 =	sld [smem:$0x3FB0]  }
0x2c: {  	s7 =	sld [smem:$0x3FB1]  }
0x2d: {  	s3 =	simm.s32 $0x108;
	s8 =	sld [smem:$0x3FB2]  }
0x2e: {  	s3 =	simm.s32 @!p0 $0x1082;
	s9 =	sld [smem:$0x3FB3]  }
0x2f: {  	lr =	sadd.s32 s0, s3;
	s0 =	sld [smem:$0x3FAA]  }
0x30: {  	s3 =	sld [smem:$0x3FAD]  }
0x31: {  	[smem:$0x3FB6] =	sst s10  }
0x32: {  	s10 =	sld [smem:$0x3FB4];
	_ =	sdelay $0x3  }
0x33: {  	p0 =	seq.s32 s10, $0x1;
	s10 =	sld [smem:$0x3FB6];
	_ =	sdelay $0x3  }
0x34: {  	[smem:$0x3FB6] =	sst s10  }
0x35: {  	s10 =	sld [smem:$0x3FB5];
	_ =	sdelay $0x3  }
0x36: {  	p1 =	seq.s32 s10, $0x1;
	s10 =	sld [smem:$0x3FB6];
	_ =	sdelay $0x3  }
0x37: {  	[smem:$0x3FB6] =	sst s10  }
0x38: {  	s10 =	sld [smem:$0x3FB7]  }
0x39: {  	_ = 	snop;
	(pc) =	sbr.ind lr, $3  }
0x3a: {  	_ = 	snop  }
0x3b: {  	_ = 	snop  }
0x3c: {  	p2 =	seq.s32 s10, $0x1;
	s10 =	sld [smem:$0x3FB6]  }
0x3d: {  	_ =	shalt  }
0x3e: {  	_ =	shalt  }
0x3f: {  	_ =	shalt  }
0x40: {  	_ =	shalt  }
0x41: {  	_ =	shalt  }
0x42: {  	_ =	shalt  }
0x43: {  	_ =	shalt  }
0x44: {  	_ =	shalt  }
0x45: {  	_ =	shalt  }
0x46: {  	_ =	shalt  }
0x47: {  	_ =	shalt  }
0x48: {  	_ =	shalt  }
0x49: {  	_ =	shalt  }
0x4a: {  	_ =	shalt  }
0x4b: {  	_ =	shalt  }
0x4c: {  	_ =	shalt  }
0x4d: {  	_ =	shalt  }
0x4e: {  	_ =	shalt  }
0x4f: {  	_ =	shalt  }
0x50: {  	_ =	shalt  }
0x51: {  	_ =	shalt  }
0x52: {  	_ =	shalt  }
0x53: {  	_ =	shalt  }
0x54: {  	_ =	shalt  }
0x55: {  	_ =	shalt  }
0x56: {  	_ =	shalt  }
0x57: {  	_ =	shalt  }
0x58: {  	_ =	shalt  }
0x59: {  	_ =	shalt  }
0x5a: {  	_ =	shalt  }
0x5b: {  	_ =	shalt  }
0x5c: {  	_ =	shalt  }
0x5d: {  	_ =	shalt  }
0x5e: {  	_ =	shalt  }
0x5f: {  	_ =	shalt  }
0x60: {  	_ =	shalt  }
0x61: {  	_ =	shalt  }
0x62: {  	_ =	shalt  }
0x63: {  	_ =	shalt  }
0x64: {  	_ =	shalt  }
0x65: {  	_ =	shalt  }
0x66: {  	_ =	shalt  }
0x67: {  	_ =	shalt  }
0x68: {  	_ =	shalt  }
0x69: {  	_ =	shalt  }
0x6a: {  	_ =	shalt  }
0x6b: {  	_ =	shalt  }
0x6c: {  	_ =	shalt  }
0x6d: {  	_ =	shalt  }
0x6e: {  	_ =	shalt  }
0x6f: {  	_ =	shalt  }
0x70: {  	_ =	shalt  }
0x71: {  	_ =	shalt  }
0x72: {  	_ =	shalt  }
0x73: {  	_ =	shalt  }
0x74: {  	_ =	shalt  }
0x75: {  	_ =	shalt  }
0x76: {  	_ =	shalt  }
0x77: {  	_ =	shalt  }
0x78: {  	_ =	shalt  }
0x79: {  	_ =	shalt  }
0x7a: {  	_ =	shalt  }
0x7b: {  	_ =	shalt  }
0x7c: {  	_ =	shalt  }
0x7d: {  	_ =	shalt  }
0x7e: {  	_ =	shalt  }
0x7f: {  	_ =	shalt  }
0x80: {  	_ =	shalt  }
0x81: {  	_ =	shalt  }
0x82: {  	_ =	shalt  }
0x83: {  	_ =	shalt  }
0x84: {  	_ =	shalt  }
0x85: {  	_ =	shalt  }
0x86: {  	_ =	shalt  }
0x87: {  	_ =	shalt  }
.Lfunc_end0:
.L_simem_size_0:
called_computation_lowered:
.L_overlay_start_0:
0x88: {  	s2 =	sld [smem:$0x3FD9]  }
0x89: {  	s3 =	sld [smem:$0x3FFE];
	_ =	sdelay $0x1  }
0x8a: {  	s1 =	srdreg.scid  }
0x8b: {  	s0 =	sand.u32 $0x1, s1  }
0x8c: {  	s17 =	sshll.u32 s0, $0xA;
	s2 =	sadd.s32 s3, s2  }
0x8d: {  	s2 =	sadd.s32 s2, s17  }
0x8e: {  	[smem:$0x3FC2] =	sst s2  }
0x8f: {  	_ = 	snop  }
0x90: {  	s2 =	sld [smem:$0x3FD0];
	(tm) =	ssettm $0x1  }
0x91: {  	s18 =	sld [smem:$0x3FFB];
	_ =	sdelay $0x3  }
0x92: {  	_ =	strace s18  }
0x93: {  	s3 =	sld [smem:$0x3FFC];
	_ =	sdelay $0x3  }
0x94: {  	_ =	strace s3  }
0x95: {  	s3 =	sld [smem:$0x3FFD];
	_ =	sdelay $0x3  }
0x96: {  	_ =	strace s3  }
0x97: {  	_ =	strace $0x8FFFFFFF  }
0x98: {  	s19 =	sld [smem:$0x3FDB];
	_ =	sdelay $0x1  }
0x99: {  	s4 =	simm.s32 $_scs_section_size  }
0x9a: {  	s5 =	simm.s32 $_size__tile_overlayer_lowered;
	s6 =	simm.s32 $_tile_overlayer_lowered  }
0x9b: {  	s22 =	simm.s32 $0x1BFF;
	s21 =	sshll.u32 s6, $0x1;
	s3 =	sadd.s32 s4, s19  }
0x9c: {  	s7 =	simm.s32 $0x0;
	s20 =	sshll.u32 s5, $0x1;
	s5 =	sadd.s32 s21, s3  }
0x9d: {  	[timem:s7], [sflag:s22] =	dma.local [hbm:s5], s20  }
0x9e: {  	_ =	swait.ge [sflag:s22], s20  }
0x9f: {  	s4 =	ssub.s32 $0x0, s20;
	[sflag:s22] =	ssyncset.done $0x0  }
0xa0: {  	[sflag:s22] =	ssyncadd.s32 s4;
	_ =	sdelay $0x1  }
0xa1: {  	s23 =	simm.s32 $0x1B8B  }
0xa2: {  	_ =	swait.ge [sflag:s23], $0x1  }
0xa3: {  	[sflag:s23] =	ssyncset.done $0x0  }
0xa4: {  	s25 =	simm.s32 $0x1B8E;
	s24 =	sld [smem:$0x3FFE];
	[sflag:s23] =	ssyncadd.s32 $0xFFFFFFFF  }
0xa5: {  	s26 =	simm.s32 $execute0_lowered;
	[smem:$0x3FD2] =	sst s25  }
0xa6: {  	s5 =	sshll.u32 s26, $0x1;
	_ =	strace $0x80000046;
	[dreg:$0x1] =	wrdreg $0xFFFFFFFF  }
0xa7: {  	s28 =	simm.s32 $_size_execute0_lowered;
	s3 =	sadd.s32 s3, s5;
	[dreg:$0x0] =	wrdreg $0x0  }
0xa8: {  	s5 =	sshll.u32 s28, $0x1;
	[dreg:$0x2] =	wrdreg s3  }
0xa9: {  	[dreg:$0x3] =	wrdreg s5  }
0xaa: {  	[dreg:$0x4] =	wrdreg $0xC0  }
0xab: {  	_ =	task [dreg:s7], $0x5FFFF  }
0xac: {  	[dreg:$0x1] =	wrdreg $0xFFFFFFFF  }
0xad: {  	[dreg:$0x0] =	wrdreg $0x60  }
0xae: {  	[dreg:$0x2] =	wrdreg s2  }
0xaf: {  	[dreg:$0x3] =	wrdreg s24  }
0xb0: {  	[dreg:$0x4] =	wrdreg $0x56800  }
0xb1: {  	[dreg:$0x5] =	wrdreg $0x9  }
0xb2: {  	_ =	task.clear_ibuf [dreg:s7], $0x6FFFF;
	_ =	strace $0x90000046  }
0xb3: {  	s29 =	simm.s32 $0x9;
	_ =	strace $0x80000048  }
0xb4: {  	_ =	swait.ge [sflag:s29], $0x1  }
0xb5: {  	[sflag:s29] =	ssyncadd.s32 $0xFFFFFFFF  }
0xb6: {  	_ =	strace $0x90000048  }
0xb7: {  	_ =	sfence  }
0xb8: {  	s30 =	sld [smem:$0x0];
	_ =	sdelay $0x2  }
0xb9: {  	s31 =	sshll.u32 s1, $0xD;
	s1 =	sshrl.u32 s1, $0x2  }
0xba: {  	s3 =	sand.u32 $0x4000, s31;
	s1 =	sadd.s32 s1, s30  }
0xbb: {  	s0 =	sor.u32 s3, s0;
	s1 =	sshll.u32 s1, $0x11  }
0xbc: {  	s0 =	sor.u32 s1, s0  }
0xbd: {  	s0 =	sadd.s32 $0x8F2B, s0  }
0xbe: {  	[sflag:s0] =	ssyncadd.remote.s32 $0x1  }
0xbf: {  	_ =	sfence.sel $0xFFFF  }
0xc0: {  	[dreg:$0x0] =	wrdreg $0xFFFFFFFF;
	(pc) =	sbr.abs _section_cstart, $3  }
0xc1: {  	[dreg:$0x1] =	wrdreg $0xFFFFFFFF  }
0xc2: {  	_ =	task.clear_ibuf [dreg:s7], $0x2FFFF;
	_ =	strace $0x9FFFFFFF  }
0xc3: {  	(tm) =	ssettm $0x7FFFFFFF  }
tec
execute0_lowered:
.L_overlay_start_1:
0x0: {  	(tag) =	ssettag $0x1  }
0x1: {  	s7 =	rddreg [dreg:$0x0]  }
0x2: {  	s5 =	rddreg [dreg:$0x1]  }
0x3: {  	s2 =	rddreg [dreg:$0x2]  }
0x4: {  	s0 =	rddreg [dreg:$0x3];
	s1 =	stileid.u32  }
0x5: {  	s4 =	srdreg.scid;
	s6 =	smul.u32 $0x2780, s1  }
0x6: {  	s3 =	simm.s32 $0x0;
	s8 =	sand.u32 $0x1, s4;
	s12 =	smul.u32 $0x4E80, s1  }
0x7: {  	[smem:$0x7FF] =	sst s3;
	s4 =	sadd.s32 $0x2800, s5;
	s9 =	smul.u32 $0x27800, s8  }
0x8: {  	s30 =	sshll.u32 s1, $0x6;
	s11 =	smul.u32 $0x4E800, s8;
	s8 =	ssub.s32 $0x2, s8  }
0x9: {  	_ =	strace $0x80000047;
	s10 =	sshrl.u32 s6, $0x3;
	s28 =	sshrl.u32 s8, $0x1  }
0xa: {  	s14 =	sadd.s32 s6, s2;
	s9 =	sadd.s32 s6, s9;
	s10 =	sadd.s32 s10, s5  }
0xb: {  	s13 =	ssub.s32 s8, s28;
	s29 =	sadd.s32 s12, s11;
	s6 =	sor.u32 $0x1C01, s30  }
0xc: {  	s11 =	simm.s32 $0x1;
	s12 =	simm.s32 $0x4E80;
	s9 =	sshrl.u32 s9, $0x3  }
0xd: {  	s31 =	sshrl.u32 s29, $0x3;
	s9 =	sadd.s32 s9, s5;
	s5 =	sadd.s32 $0x2A00, s10  }
0xe: {  	s7 =	sadd.s32 s7, s31;
	s10 =	sshrl.u32 s14, $0x3;
	s14 =	simm.s32 $0x0  }
0xf: {  	s8 =	sadd.s32 $0x7A00, s9;
	s9 =	smax.u32 s13, $0x1;
	s13 =	simm.s32 $0x80  }
.LBB2_1:
0x10: {  	[spmem:s10], [sflag:s6] =	dma.local [hbm:s5], $0x4F0  }
0x11: {  	_ =	swait.ge [sflag:s11], $0x4F0  }
0x12: {  	[sflag:s11] =	ssyncset.done $0x0  }
0x13: {  	[sflag:s11] =	ssyncadd.s32 $0xFFFFFB10  }
0x14: {  	[tilespmem:s12], [sflag:$0x1] =	stream.linear.gather [hbm4b:s4+s3], $0x800, $0x38;
	[tilespmem:$0x7E00] =	vst v63  }
0x15: {  	_ =	swait.ge [sflag:s11], $0x800  }
0x16: {  	[sflag:s11] =	ssyncset.done $0x0  }
0x17: {  	[sflag:s11] =	ssyncadd.s32 $0xFFFFF800  }
0x18: {  	[tilespmem:s3], [sflag:$0x1] =	stream.linear.gather [hbm4b:s7+s3], $0x4E80, $0x38;
	[tilespmem:$0x7E00] =	vst v63  }
0x19: {  	_ =	swait.ge [sflag:s11], $0x4E80  }
0x1a: {  	[sflag:s11] =	ssyncset.done $0x0  }
0x1b: {  	[sflag:s11] =	ssyncadd.s32 $0xFFFFB180  }
0x1c: {  	s15 =	simm.s32 $0x0;
	[bflag:$0x0] =	sbarrier.arrive $0xFFFF  }
0x1d: {  	[spmem:s2] =	stream.indirect.scatter.add.f32 [tilespmem:s12], [sflag:$0x1], $0x10, s15, s13, $0xb8;
	[tilespmem:$0x7E00] =	vst v63  }
0x1e: {  	_ =	swait.ge [sflag:s11], $0x800  }
0x1f: {  	s15 =	simm.s32 $0x200;
	[sflag:s11] =	ssyncset.done $0x0  }
.LBB2_2:
0x20: {  	s16 =	sshra.s32 s15, $0x2;
	[sflag:s11] =	ssyncadd.s32 $0xFFFFF800;
	p0 =	sne.s32 s15, $0x13800  }
0x21: {  	[spmem:s2] =	stream.indirect.scatter.add.f32 [tilespmem:s12], [sflag:$0x1], $0x10, s16, s13, $0xb8;
	[tilespmem:$0x7E00] =	vst v63  }
.Ltmp0:
0x22: {  	_ = 	snop;
	(pc) =	sbr.rel @p0 .LBB2_2-.Ltmp0, $4  }
0x23: {  	_ = 	snop  }
0x24: {  	s15 =	sadd.s32 $0x200, s15  }
0x25: {  	_ =	swait.ge [sflag:s11], $0x800  }
0x26: {  	[sflag:s11] =	ssyncset.done $0x0  }
0x27: {  	s14 =	sadd.s32 $0x1, s14  }
0x28: {  	[sflag:s11] =	ssyncadd.s32 $0xFFFFF800;
	p0 =	sne.s32 s14, s9  }
.Ltmp1:
0x29: {  	[bflag:$0x0] =	sbarrier.arrive $0xFFFF;
	(pc) =	sbr.rel @p0 .LBB2_1-.Ltmp1, $4  }
0x2a: {  	[hbm:s8], [sflag:s6] =	dma.local [spmem:s10], $0x4F0  }
0x2b: {  	_ =	swait.ge [sflag:s11], $0x4F0  }
0x2c: {  	[sflag:s11] =	ssyncset.done $0x0  }
0x2d: {  	[sflag:s11] =	ssyncadd.s32 $0xFFFFFB10  }
0x2e: {  	_ =	sfence.sel $0x180000  }
0x2f: {  	[bflag:$0x0] =	sbarrier.arrive $0xFFFF  }
0x30: {  	p0 =	sne.s32 s1, $0x0;
	_ =	strace $0x90000047  }
0x31: {  	s0 =	sadd.s32 @!p0 $0x100000, s0;
	[bflag:$0x2] =	sbarrier.arrive $0xFFFF  }
0x32: {  	[sflag:s0] =	ssyncadd.tile.s32 @!p0 $0x1;
	_ =	shalt  }
.Lfunc_end2:
_tile_overlayer_lowered:
.L_overlay_start_2:
0x33: {  	(tag) =	ssettag $0x2  }
0x34: {  	s0 =	rddreg [dreg:$0x0];
	s2 =	stileid.u32  }
0x35: {  	s1 =	rddreg [dreg:$0x1];
	p0 =	sne.s32 s2, $0x0  }
0x36: {  	s3 =	rddreg [dreg:$0x2];
	[bflag:$0x3] =	sbarrier.arrive $0xFFFF;
	s2 =	simm.s32 @!p0 $0x1C01  }
0x37: {  	[timem:s3], [sflag:s2] =	dma.local @!p0 [hbm:s0], s1  }
0x38: {  	s0 =	simm.s32 @!p0 $0x1  }
0x39: {  	_ =	swait.ge @!p0 [sflag:s0], s1  }
0x3a: {  	s1 =	ssub.s32 @!p0 $0x0, s1;
	[sflag:s0] =	ssyncset.done @!p0 $0x0  }
0x3b: {  	[sflag:s0] =	ssyncadd.s32 @!p0 s1  }
0x3c: {  	[bflag:$0x3] =	sbarrier.arrive $0xFFFF  }
0x3d: {  	_ =	shalt  }

</sc_bundles>
